<compile_context>
chip_gen: v7x
topology: tpu7x:2x2x1
jax: 0.10.2.dev20260603
libtpu: 0.0.44.dev20260713+nightly
codegen_flags: <defaults>
</compile_context>

<pallas_src>
import functools

import jax
import jax.numpy as jnp
from jax import lax
from jax.experimental import pallas as pl
from jax.experimental.pallas import tpu as pltpu
from jax.experimental.pallas import tpu_sc as plsc

NUM_CLASS = 19
NIMG, H, W = 16, 512, 512
NC, NS, L = 2, 16, 16
NW = NC * NS
ROWS_W = H // 2
RCHUNK = 32
NCHUNK = ROWS_W // RCHUNK
NSLOT = 2
VECS = RCHUNK * W // L
HBINS = 368
HSZ = HBINS * L

_mesh = plsc.VectorSubcoreMesh(core_axis_name="c", subcore_axis_name="s")


@functools.partial(
    pl.kernel,
    mesh=_mesh,
    compiler_params=pltpu.CompilerParams(
        needs_layout_passes=False, use_tc_tiling_on_sc=True),
    out_type=jax.ShapeDtypeStruct((NW, HSZ), jnp.int32),
    scratch_types=[
        pltpu.VMEM((NSLOT, RCHUNK, W), jnp.int32),
        pltpu.VMEM((NSLOT, RCHUNK, W), jnp.int32),
        pltpu.VMEM((HSZ,), jnp.int32),
        pltpu.SemaphoreType.DMA,
        pltpu.SemaphoreType.DMA,
    ],
)
def _hist_kernel(pred_hbm, label_hbm, out_hbm, pbuf, lbuf, hist,
                 sem0, sem1):
    c = lax.axis_index("c")
    s = lax.axis_index("s")
    wid = c * NS + s
    img = wid // 2
    row0 = (wid % 2) * ROWS_W

    sems = (sem0, sem1)

    def issue(g, slot):
        r = row0 + g * RCHUNK
        pltpu.async_copy(
            pred_hbm.at[img, pl.ds(r, RCHUNK), :], pbuf.at[slot], sems[slot])
        pltpu.async_copy(
            label_hbm.at[img, pl.ds(r, RCHUNK), :], lbuf.at[slot], sems[slot])

    issue(0, 0)
    issue(1, 1)

    zeros = jnp.zeros((L,), jnp.int32)

    @plsc.parallel_loop(0, HBINS, unroll=8)
    def _zero(i):
        hist[pl.ds(i * L, L)] = zeros

    lane = lax.iota(jnp.int32, L)
    ones = jnp.ones((L,), jnp.int32)

    @pl.loop(0, NCHUNK // NSLOT)
    def _outer(j):
        g = j * NSLOT
        for b in range(NSLOT):
            pltpu.make_async_copy(
                pred_hbm.at[img, pl.ds(row0, RCHUNK), :], pbuf.at[b],
                sems[b]).wait()
            pltpu.make_async_copy(
                label_hbm.at[img, pl.ds(row0, RCHUNK), :], lbuf.at[b],
                sems[b]).wait()

            @plsc.parallel_loop(0, VECS, unroll=8)
            def _vbody(i):
                row = i >> 5
                col = (i & 31) * L
                pv = pbuf[b, row, pl.ds(col, L)]
                lv = lbuf[b, row, pl.ds(col, L)]
                flat = (lv * NUM_CLASS + pv) * L + lane
                plsc.addupdate_scatter(hist, [flat], ones)

            nxt = g + b + NSLOT

            @pl.when(nxt < NCHUNK)
            def _():
                issue(nxt, b)

    pltpu.sync_copy(hist, out_hbm.at[wid])


def kernel(imgPredict, imgLabel):
    parts = _hist_kernel(imgPredict, imgLabel)
    counts = parts.reshape(NW, HBINS, L).sum(axis=(0, 2))[: NUM_CLASS ** 2]
    cm = counts.reshape(NUM_CLASS, NUM_CLASS).astype(jnp.float32)

    eye = jnp.eye(NUM_CLASS, dtype=jnp.float32)
    diag = (cm * eye).sum(axis=1)
    pa = diag.sum() / cm.sum()
    cpa = diag / cm.sum(axis=1)
    mpa = jnp.nanmean(cpa)
    union = cm.sum(axis=1) + cm.sum(axis=0) - diag
    ciou = diag / union
    miou = jnp.nanmean(ciou)
    return (pa, cpa, mpa, ciou, miou)

# --- scband reference (transcript-rebuilt; emitter-appended) ---
"""Pipeline reference for scband-segmentation-metric-75479755260600 (READ-ONLY COPY).

The authoritative reference and input builder live on the scoring server;
editing this copy changes nothing except your own understanding.
"""

import jax, jax.numpy as jnp
import numpy as np

NUM_CLASS = 19

def setup_inputs(seed: int = 0) -> dict:
    key = jax.random.key(seed)
    k1, k2 = jax.random.split(key)
    imgPredict = jax.random.randint(k1, (16, 512, 512), 0, NUM_CLASS, dtype=jnp.int32)
    imgLabel = jax.random.randint(k2, (16, 512, 512), 0, NUM_CLASS, dtype=jnp.int32)
    return {"imgPredict": imgPredict, "imgLabel": imgLabel}

def reference(imgPredict, imgLabel):
    numClass = NUM_CLASS
    assert imgPredict.shape == imgLabel.shape
    # genConfusionMatrix
    mask = (imgLabel >= 0) & (imgLabel < numClass)
    label = numClass * imgLabel + imgPredict
    safe_label = jnp.where(mask, label, 0).ravel()
    count = jnp.bincount(
        safe_label,
        weights=mask.ravel().astype(jnp.int32),
        minlength=numClass ** 2,
        length=numClass ** 2,
    )
    confusionMatrix = count.reshape(numClass, numClass).astype(jnp.float64)
    # self.confusionMatrix starts at zeros, so after one forward it equals confusionMatrix
    cm = confusionMatrix
    # pixelAccuracy
    pa = jnp.diag(cm).sum() / cm.sum()
    # classPixelAccuracy
    cpa = jnp.diag(cm) / cm.sum(axis=1)
    # meanPixelAccuracy
    mpa = jnp.nanmean(cpa)
    # meanIntersectionOverUnion
    intersection = jnp.diag(cm)
    union = cm.sum(axis=1) + cm.sum(axis=0) - jnp.diag(cm)
    ciou = intersection / union
    miou = jnp.nanmean(ciou)
    return (pa, cpa, mpa, ciou, miou)

if __name__ == "__main__":
    import jax
    _d = setup_inputs()
    print(jax.jit(kernel)(*tuple(_d.values())))

</pallas_src>

<mosaic_0001>
#map = affine_map<(d0, d1) -> (0, 0, 0)>
#map1 = affine_map<(d0, d1) -> (0, 0)>
module attributes {stable_mosaic.version = 14 : i64} {
  func.func @_hist_kernel(%arg0: i32, %arg1: i32, %arg2: memref<16x512x512xi32, #tpu.memory_space<hbm>>, %arg3: memref<16x512x512xi32, #tpu.memory_space<hbm>>, %arg4: memref<32x5888xi32, #tpu.memory_space<hbm>>, %arg5: memref<2x32x512xi32, #tpu.memory_space<vmem>>, %arg6: memref<2x32x512xi32, #tpu.memory_space<vmem>>, %arg7: memref<5888xi32, #tpu.memory_space<vmem>>, %arg8: memref<!tpu.dma_semaphore, #tpu.memory_space<semaphore_mem>>, %arg9: memref<!tpu.dma_semaphore, #tpu.memory_space<semaphore_mem>>) attributes {dimension_semantics = [#tpu.dimension_semantics<core_parallel>, #tpu.dimension_semantics<subcore_parallel>], iteration_bounds = array<i64: 2, 16>, scalar_prefetch = 0 : i64, scratch_operands = 5 : i64, tpu.core_type = #tpu.core_type<sc_vector_subcore>, window_params = [{transform_indices = #map}, {transform_indices = #map}, {transform_indices = #map1}]} {
    %mul3A = arith.constant 16 : i32
    %mul3A_0 = arith.muli %arg0, %mul3A : i32
    %add3A = arith.addi %mul3A_0, %arg1 : i32
    %jit3A = arith.constant 2 : i32
    %div3A = arith.divsi %add3A, %jit3A : i32
    %sign3A = arith.constant 0 : i32
    %sign3A_1 = arith.cmpi sgt, %add3A, %sign3A : i32
    %sign3A_2 = arith.extui %sign3A_1 : i1 to i32
    %sign3A_3 = arith.constant 0 : i32
    %sign3A_4 = arith.cmpi slt, %add3A, %sign3A_3 : i32
    %sign3A_5 = arith.extui %sign3A_4 : i1 to i32
    %sign3A_6 = arith.subi %sign3A_2, %sign3A_5 : i32
    %sign3A_7 = arith.constant 0 : i32
    %sign3A_8 = arith.cmpi sgt, %jit3A, %sign3A_7 : i32
    %sign3A_9 = arith.extui %sign3A_8 : i1 to i32
    %sign3A_10 = arith.constant 0 : i32
    %sign3A_11 = arith.cmpi slt, %jit3A, %sign3A_10 : i32
    %sign3A_12 = arith.extui %sign3A_11 : i1 to i32
    %sign3A_13 = arith.subi %sign3A_9, %sign3A_12 : i32
    %ne3A = arith.cmpi ne, %sign3A_6, %sign3A_13 : i32
    %rem3A = arith.remsi %add3A, %jit3A : i32
    %ne3A_14 = arith.constant 0 : i32
    %ne3A_15 = arith.cmpi ne, %rem3A, %ne3A_14 : i32
    %and3A = arith.andi %ne3A, %ne3A_15 : i1
    %sub3A = arith.constant 1 : i32
    %sub3A_16 = arith.subi %div3A, %sub3A : i32
    %select_n3A = arith.select %and3A, %sub3A_16, %div3A : i32
    %jit3A_17 = arith.constant 2 : i32
    %eq3A = arith.constant 0 : i32
    %eq3A_18 = arith.cmpi eq, %jit3A_17, %eq3A : i32
    %jit3A_19 = arith.constant 1 : i32
    %select_n3A_20 = arith.select %eq3A_18, %jit3A_19, %jit3A_17 : i32
    %rem3A_21 = arith.remsi %add3A, %select_n3A_20 : i32
    %ne3A_22 = arith.constant 0 : i32
    %ne3A_23 = arith.cmpi ne, %rem3A_21, %ne3A_22 : i32
    %lt3A = arith.constant 0 : i32
    %lt3A_24 = arith.cmpi slt, %rem3A_21, %lt3A : i32
    %lt3A_25 = arith.constant 0 : i32
    %lt3A_26 = arith.cmpi slt, %select_n3A_20, %lt3A_25 : i32
    %ne3A_27 = arith.xori %lt3A_24, %lt3A_26 : i1
    %and3A_28 = arith.andi %ne3A_27, %ne3A_23 : i1
    %add3A_29 = arith.addi %rem3A_21, %select_n3A_20 : i32
    %select_n3A_30 = arith.select %and3A_28, %add3A_29, %rem3A_21 : i32
    %mul3A_31 = arith.constant 256 : i32
    %mul3A_32 = arith.muli %select_n3A_30, %mul3A_31 : i32
    %add3A_33 = arith.constant 0 : i32
    %add3A_34 = arith.addi %mul3A_32, %add3A_33 : i32
    %dma_start3A = arith.constant 0 : i32
    %dma_start3A_35 = arith.constant 0 : i32
    %dma_start3A_36 = arith.constant 0 : i32
    %dma_start3A_37 = tpu.memref_slice %arg5[%dma_start3A, %dma_start3A_35, %dma_start3A_36] : memref<2x32x512xi32, #tpu.memory_space<vmem>> -> memref<1x32x512xi32, #tpu.memory_space<vmem>>
    %dma_start3A_38 = tpu.memref_squeeze %dma_start3A_37 : memref<1x32x512xi32, #tpu.memory_space<vmem>> -> memref<32x512xi32, #tpu.memory_space<vmem>>
    %dma_start3A_39 = arith.constant 0 : i32
    %dma_start3A_40 = tpu.memref_slice %arg2[%select_n3A, %add3A_34, %dma_start3A_39] : memref<16x512x512xi32, #tpu.memory_space<hbm>> -> memref<1x32x512xi32, #tpu.memory_space<hbm>>
    %dma_start3A_41 = tpu.memref_squeeze %dma_start3A_40 : memref<1x32x512xi32, #tpu.memory_space<hbm>> -> memref<32x512xi32, #tpu.memory_space<hbm>>
    %dma_start3A_42 = arith.constant 0 : i32
    %dma_start3A_43 = arith.constant 0 : i32
    %dma_start3A_44 = tpu.memref_slice %arg5[%dma_start3A, %dma_start3A_42, %dma_start3A_43] : memref<2x32x512xi32, #tpu.memory_space<vmem>> -> memref<1x32x512xi32, #tpu.memory_space<vmem>>
    %dma_start3A_45 = tpu.memref_squeeze %dma_start3A_44 : memref<1x32x512xi32, #tpu.memory_space<vmem>> -> memref<32x512xi32, #tpu.memory_space<vmem>>
    %dma_start3A_46 = arith.constant 0 : i32
    %dma_start3A_47 = tpu.memref_slice %arg2[%select_n3A, %add3A_34, %dma_start3A_46] : memref<16x512x512xi32, #tpu.memory_space<hbm>> -> memref<1x32x512xi32, #tpu.memory_space<hbm>>
    %dma_start3A_48 = tpu.memref_squeeze %dma_start3A_47 : memref<1x32x512xi32, #tpu.memory_space<hbm>> -> memref<32x512xi32, #tpu.memory_space<hbm>>
    tpu.enqueue_dma source(%dma_start3A_48 : memref<32x512xi32, #tpu.memory_space<hbm>>) target(%dma_start3A_45 : memref<32x512xi32, #tpu.memory_space<vmem>>) target_semaphore(%arg8 : memref<!tpu.dma_semaphore, #tpu.memory_space<semaphore_mem>>)
    %dma_start3A_49 = arith.constant 0 : i32
    %dma_start3A_50 = arith.constant 0 : i32
    %dma_start3A_51 = arith.constant 0 : i32
    %dma_start3A_52 = tpu.memref_slice %arg6[%dma_start3A_49, %dma_start3A_50, %dma_start3A_51] : memref<2x32x512xi32, #tpu.memory_space<vmem>> -> memref<1x32x512xi32, #tpu.memory_space<vmem>>
    %dma_start3A_53 = tpu.memref_squeeze %dma_start3A_52 : memref<1x32x512xi32, #tpu.memory_space<vmem>> -> memref<32x512xi32, #tpu.memory_space<vmem>>
    %dma_start3A_54 = arith.constant 0 : i32
    %dma_start3A_55 = tpu.memref_slice %arg3[%select_n3A, %add3A_34, %dma_start3A_54] : memref<16x512x512xi32, #tpu.memory_space<hbm>> -> memref<1x32x512xi32, #tpu.memory_space<hbm>>
    %dma_start3A_56 = tpu.memref_squeeze %dma_start3A_55 : memref<1x32x512xi32, #tpu.memory_space<hbm>> -> memref<32x512xi32, #tpu.memory_space<hbm>>
    %dma_start3A_57 = arith.constant 0 : i32
    %dma_start3A_58 = arith.constant 0 : i32
    %dma_start3A_59 = tpu.memref_slice %arg6[%dma_start3A_49, %dma_start3A_57, %dma_start3A_58] : memref<2x32x512xi32, #tpu.memory_space<vmem>> -> memref<1x32x512xi32, #tpu.memory_space<vmem>>
    %dma_start3A_60 = tpu.memref_squeeze %dma_start3A_59 : memref<1x32x512xi32, #tpu.memory_space<vmem>> -> memref<32x512xi32, #tpu.memory_space<vmem>>
    %dma_start3A_61 = arith.constant 0 : i32
    %dma_start3A_62 = tpu.memref_slice %arg3[%select_n3A, %add3A_34, %dma_start3A_61] : memref<16x512x512xi32, #tpu.memory_space<hbm>> -> memref<1x32x512xi32, #tpu.memory_space<hbm>>
    %dma_start3A_63 = tpu.memref_squeeze %dma_start3A_62 : memref<1x32x512xi32, #tpu.memory_space<hbm>> -> memref<32x512xi32, #tpu.memory_space<hbm>>
    tpu.enqueue_dma source(%dma_start3A_63 : memref<32x512xi32, #tpu.memory_space<hbm>>) target(%dma_start3A_60 : memref<32x512xi32, #tpu.memory_space<vmem>>) target_semaphore(%arg8 : memref<!tpu.dma_semaphore, #tpu.memory_space<semaphore_mem>>)
    %add3A_64 = arith.constant 32 : i32
    %add3A_65 = arith.addi %mul3A_32, %add3A_64 : i32
    %dma_start3A_66 = arith.constant 1 : i32
    %dma_start3A_67 = arith.constant 0 : i32
    %dma_start3A_68 = arith.constant 0 : i32
    %dma_start3A_69 = tpu.memref_slice %arg5[%dma_start3A_66, %dma_start3A_67, %dma_start3A_68] : memref<2x32x512xi32, #tpu.memory_space<vmem>> -> memref<1x32x512xi32, #tpu.memory_space<vmem>>
    %dma_start3A_70 = tpu.memref_squeeze %dma_start3A_69 : memref<1x32x512xi32, #tpu.memory_space<vmem>> -> memref<32x512xi32, #tpu.memory_space<vmem>>
    %dma_start3A_71 = arith.constant 0 : i32
    %dma_start3A_72 = tpu.memref_slice %arg2[%select_n3A, %add3A_65, %dma_start3A_71] : memref<16x512x512xi32, #tpu.memory_space<hbm>> -> memref<1x32x512xi32, #tpu.memory_space<hbm>>
    %dma_start3A_73 = tpu.memref_squeeze %dma_start3A_72 : memref<1x32x512xi32, #tpu.memory_space<hbm>> -> memref<32x512xi32, #tpu.memory_space<hbm>>
    %dma_start3A_74 = arith.constant 0 : i32
    %dma_start3A_75 = arith.constant 0 : i32
    %dma_start3A_76 = tpu.memref_slice %arg5[%dma_start3A_66, %dma_start3A_74, %dma_start3A_75] : memref<2x32x512xi32, #tpu.memory_space<vmem>> -> memref<1x32x512xi32, #tpu.memory_space<vmem>>
    %dma_start3A_77 = tpu.memref_squeeze %dma_start3A_76 : memref<1x32x512xi32, #tpu.memory_space<vmem>> -> memref<32x512xi32, #tpu.memory_space<vmem>>
    %dma_start3A_78 = arith.constant 0 : i32
    %dma_start3A_79 = tpu.memref_slice %arg2[%select_n3A, %add3A_65, %dma_start3A_78] : memref<16x512x512xi32, #tpu.memory_space<hbm>> -> memref<1x32x512xi32, #tpu.memory_space<hbm>>
    %dma_start3A_80 = tpu.memref_squeeze %dma_start3A_79 : memref<1x32x512xi32, #tpu.memory_space<hbm>> -> memref<32x512xi32, #tpu.memory_space<hbm>>
    tpu.enqueue_dma source(%dma_start3A_80 : memref<32x512xi32, #tpu.memory_space<hbm>>) target(%dma_start3A_77 : memref<32x512xi32, #tpu.memory_space<vmem>>) target_semaphore(%arg9 : memref<!tpu.dma_semaphore, #tpu.memory_space<semaphore_mem>>)
    %dma_start3A_81 = arith.constant 1 : i32
    %dma_start3A_82 = arith.constant 0 : i32
    %dma_start3A_83 = arith.constant 0 : i32
    %dma_start3A_84 = tpu.memref_slice %arg6[%dma_start3A_81, %dma_start3A_82, %dma_start3A_83] : memref<2x32x512xi32, #tpu.memory_space<vmem>> -> memref<1x32x512xi32, #tpu.memory_space<vmem>>
    %dma_start3A_85 = tpu.memref_squeeze %dma_start3A_84 : memref<1x32x512xi32, #tpu.memory_space<vmem>> -> memref<32x512xi32, #tpu.memory_space<vmem>>
    %dma_start3A_86 = arith.constant 0 : i32
    %dma_start3A_87 = tpu.memref_slice %arg3[%select_n3A, %add3A_65, %dma_start3A_86] : memref<16x512x512xi32, #tpu.memory_space<hbm>> -> memref<1x32x512xi32, #tpu.memory_space<hbm>>
    %dma_start3A_88 = tpu.memref_squeeze %dma_start3A_87 : memref<1x32x512xi32, #tpu.memory_space<hbm>> -> memref<32x512xi32, #tpu.memory_space<hbm>>
    %dma_start3A_89 = arith.constant 0 : i32
    %dma_start3A_90 = arith.constant 0 : i32
    %dma_start3A_91 = tpu.memref_slice %arg6[%dma_start3A_81, %dma_start3A_89, %dma_start3A_90] : memref<2x32x512xi32, #tpu.memory_space<vmem>> -> memref<1x32x512xi32, #tpu.memory_space<vmem>>
    %dma_start3A_92 = tpu.memref_squeeze %dma_start3A_91 : memref<1x32x512xi32, #tpu.memory_space<vmem>> -> memref<32x512xi32, #tpu.memory_space<vmem>>
    %dma_start3A_93 = arith.constant 0 : i32
    %dma_start3A_94 = tpu.memref_slice %arg3[%select_n3A, %add3A_65, %dma_start3A_93] : memref<16x512x512xi32, #tpu.memory_space<hbm>> -> memref<1x32x512xi32, #tpu.memory_space<hbm>>
    %dma_start3A_95 = tpu.memref_squeeze %dma_start3A_94 : memref<1x32x512xi32, #tpu.memory_space<hbm>> -> memref<32x512xi32, #tpu.memory_space<hbm>>
    tpu.enqueue_dma source(%dma_start3A_95 : memref<32x512xi32, #tpu.memory_space<hbm>>) target(%dma_start3A_92 : memref<32x512xi32, #tpu.memory_space<vmem>>) target_semaphore(%arg9 : memref<!tpu.dma_semaphore, #tpu.memory_space<semaphore_mem>>)
    %broadcast_in_dim3A = arith.constant 0 : i32
    %broadcast_in_dim3A_96 = vector.broadcast %broadcast_in_dim3A : i32 to vector<16xi32>
    %parallel_loop3A = arith.constant 0 : i32
    %parallel_loop3A_97 = arith.constant 368 : i32
    %parallel_loop3A_98 = arith.constant 1 : i32
    scf.for %parallel_loop3A_105 = %parallel_loop3A to %parallel_loop3A_97 step %parallel_loop3A_98  : i32 {
      %parallel_loop3A_106 = arith.constant 16 : i32
      %parallel_loop3A_107 = arith.muli %parallel_loop3A_105, %parallel_loop3A_106 : i32
      %parallel_loop3A_108 = arith.index_cast %parallel_loop3A_107 : i32 to index
      %parallel_loop3A_109 = tpu.vector_load %arg7[%parallel_loop3A_108] {strides = array<i32>} : memref<5888xi32, #tpu.memory_space<vmem>>, vector<16xi32>,
      tpu.vector_store %arg7[%parallel_loop3A_108], %broadcast_in_dim3A_96 {strides = array<i32>} : memref<5888xi32, #tpu.memory_space<vmem>>, vector<16xi32>,
    } {sc.loop_unroll_factor = 8 : i64, sc.parallel_access}
    %iota3A = tpu.iota {dimensions = array<i32: 0>} : vector<16xi32>
    %broadcast_in_dim3A_99 = arith.constant 1 : i32
    %broadcast_in_dim3A_100 = vector.broadcast %broadcast_in_dim3A_99 : i32 to vector<16xi32>
    %scan3A = arith.constant 0 : i32
    %scan3A_101 = arith.constant 4 : i32
    %scan3A_102 = arith.addi %scan3A, %scan3A_101 : i32
    %scan3A_103 = arith.constant 1 : i32
    scf.for %scan3A_105 = %scan3A to %scan3A_102 step %scan3A_103  : i32 {
      %mul3A_106 = arith.constant 1 : i32
      %mul3A_107 = arith.muli %scan3A_105, %mul3A_106 : i32
      %add3A_108 = arith.constant 0 : i32
      %add3A_109 = arith.addi %add3A_108, %mul3A_107 : i32
      %mul3A_110 = arith.constant 2 : i32
      %mul3A_111 = arith.muli %add3A_109, %mul3A_110 : i32
      %dma_wait3A = arith.constant 0 : i32
      %dma_wait3A_112 = arith.constant 0 : i32
      %dma_wait3A_113 = arith.constant 0 : i32
      %dma_wait3A_114 = tpu.memref_slice %arg5[%dma_wait3A, %dma_wait3A_112, %dma_wait3A_113] : memref<2x32x512xi32, #tpu.memory_space<vmem>> -> memref<1x32x512xi32, #tpu.memory_space<vmem>>
      %dma_wait3A_115 = tpu.memref_squeeze %dma_wait3A_114 : memref<1x32x512xi32, #tpu.memory_space<vmem>> -> memref<32x512xi32, #tpu.memory_space<vmem>>
      %dma_wait3A_116 = arith.constant 0 : i32
      %dma_wait3A_117 = tpu.memref_slice %arg2[%select_n3A, %mul3A_32, %dma_wait3A_116] : memref<16x512x512xi32, #tpu.memory_space<hbm>> -> memref<1x32x512xi32, #tpu.memory_space<hbm>>
      %dma_wait3A_118 = tpu.memref_squeeze %dma_wait3A_117 : memref<1x32x512xi32, #tpu.memory_space<hbm>> -> memref<32x512xi32, #tpu.memory_space<hbm>>
      %dma_wait3A_119 = arith.constant 0 : i32
      %dma_wait3A_120 = arith.constant 0 : i32
      %dma_wait3A_121 = tpu.memref_slice %arg5[%dma_wait3A, %dma_wait3A_119, %dma_wait3A_120] : memref<2x32x512xi32, #tpu.memory_space<vmem>> -> memref<1x32x512xi32, #tpu.memory_space<vmem>>
      %dma_wait3A_122 = tpu.memref_squeeze %dma_wait3A_121 : memref<1x32x512xi32, #tpu.memory_space<vmem>> -> memref<32x512xi32, #tpu.memory_space<vmem>>
      %dma_wait3A_123 = arith.constant 0 : i32
      %dma_wait3A_124 = tpu.memref_slice %arg2[%select_n3A, %mul3A_32, %dma_wait3A_123] : memref<16x512x512xi32, #tpu.memory_space<hbm>> -> memref<1x32x512xi32, #tpu.memory_space<hbm>>
      %dma_wait3A_125 = tpu.memref_squeeze %dma_wait3A_124 : memref<1x32x512xi32, #tpu.memory_space<hbm>> -> memref<32x512xi32, #tpu.memory_space<hbm>>
      tpu.wait_dma2 semaphore(%arg8 : memref<!tpu.dma_semaphore, #tpu.memory_space<semaphore_mem>>) src(%dma_wait3A_125 : memref<32x512xi32, #tpu.memory_space<hbm>>) dst(%dma_wait3A_122 : memref<32x512xi32, #tpu.memory_space<vmem>>)
      %dma_wait3A_126 = arith.constant 0 : i32
      %dma_wait3A_127 = arith.constant 0 : i32
      %dma_wait3A_128 = arith.constant 0 : i32
      %dma_wait3A_129 = tpu.memref_slice %arg6[%dma_wait3A_126, %dma_wait3A_127, %dma_wait3A_128] : memref<2x32x512xi32, #tpu.memory_space<vmem>> -> memref<1x32x512xi32, #tpu.memory_space<vmem>>
      %dma_wait3A_130 = tpu.memref_squeeze %dma_wait3A_129 : memref<1x32x512xi32, #tpu.memory_space<vmem>> -> memref<32x512xi32, #tpu.memory_space<vmem>>
      %dma_wait3A_131 = arith.constant 0 : i32
      %dma_wait3A_132 = tpu.memref_slice %arg3[%select_n3A, %mul3A_32, %dma_wait3A_131] : memref<16x512x512xi32, #tpu.memory_space<hbm>> -> memref<1x32x512xi32, #tpu.memory_space<hbm>>
      %dma_wait3A_133 = tpu.memref_squeeze %dma_wait3A_132 : memref<1x32x512xi32, #tpu.memory_space<hbm>> -> memref<32x512xi32, #tpu.memory_space<hbm>>
      %dma_wait3A_134 = arith.constant 0 : i32
      %dma_wait3A_135 = arith.constant 0 : i32
      %dma_wait3A_136 = tpu.memref_slice %arg6[%dma_wait3A_126, %dma_wait3A_134, %dma_wait3A_135] : memref<2x32x512xi32, #tpu.memory_space<vmem>> -> memref<1x32x512xi32, #tpu.memory_space<vmem>>
      %dma_wait3A_137 = tpu.memref_squeeze %dma_wait3A_136 : memref<1x32x512xi32, #tpu.memory_space<vmem>> -> memref<32x512xi32, #tpu.memory_space<vmem>>
      %dma_wait3A_138 = arith.constant 0 : i32
      %dma_wait3A_139 = tpu.memref_slice %arg3[%select_n3A, %mul3A_32, %dma_wait3A_138] : memref<16x512x512xi32, #tpu.memory_space<hbm>> -> memref<1x32x512xi32, #tpu.memory_space<hbm>>
      %dma_wait3A_140 = tpu.memref_squeeze %dma_wait3A_139 : memref<1x32x512xi32, #tpu.memory_space<hbm>> -> memref<32x512xi32, #tpu.memory_space<hbm>>
      tpu.wait_dma2 semaphore(%arg8 : memref<!tpu.dma_semaphore, #tpu.memory_space<semaphore_mem>>) src(%dma_wait3A_140 : memref<32x512xi32, #tpu.memory_space<hbm>>) dst(%dma_wait3A_137 : memref<32x512xi32, #tpu.memory_space<vmem>>)
      %parallel_loop3A_141 = arith.constant 0 : i32
      %parallel_loop3A_142 = arith.constant 1024 : i32
      %parallel_loop3A_143 = arith.constant 1 : i32
      scf.for %parallel_loop3A_193 = %parallel_loop3A_141 to %parallel_loop3A_142 step %parallel_loop3A_143  : i32 {
        %parallel_loop3A_194 = arith.constant 5 : i32
        %parallel_loop3A_195 = arith.shrsi %parallel_loop3A_193, %parallel_loop3A_194 : i32
        %parallel_loop3A_196 = arith.constant 31 : i32
        %parallel_loop3A_197 = arith.andi %parallel_loop3A_193, %parallel_loop3A_196 : i32
        %parallel_loop3A_198 = arith.constant 16 : i32
        %parallel_loop3A_199 = arith.muli %parallel_loop3A_197, %parallel_loop3A_198 : i32
        %parallel_loop3A_200 = arith.constant 0 : i32
        %parallel_loop3A_201 = arith.index_cast %parallel_loop3A_200 : i32 to index
        %parallel_loop3A_202 = arith.index_cast %parallel_loop3A_195 : i32 to index
        %parallel_loop3A_203 = arith.index_cast %parallel_loop3A_199 : i32 to index
        %parallel_loop3A_204 = tpu.vector_load %arg5[%parallel_loop3A_201, %parallel_loop3A_202, %parallel_loop3A_203] {strides = array<i32>} : memref<2x32x512xi32, #tpu.memory_space<vmem>>, vector<16xi32>,
        %parallel_loop3A_205 = arith.constant 0 : i32
        %parallel_loop3A_206 = arith.index_cast %parallel_loop3A_205 : i32 to index
        %parallel_loop3A_207 = arith.index_cast %parallel_loop3A_195 : i32 to index
        %parallel_loop3A_208 = arith.index_cast %parallel_loop3A_199 : i32 to index
        %parallel_loop3A_209 = tpu.vector_load %arg6[%parallel_loop3A_206, %parallel_loop3A_207, %parallel_loop3A_208] {strides = array<i32>} : memref<2x32x512xi32, #tpu.memory_space<vmem>>, vector<16xi32>,
        %parallel_loop3A_210 = arith.constant 19 : i32
        %parallel_loop3A_211 = vector.broadcast %parallel_loop3A_210 : i32 to vector<16xi32>
        %parallel_loop3A_212 = arith.muli %parallel_loop3A_209, %parallel_loop3A_211 : vector<16xi32>
        %parallel_loop3A_213 = arith.addi %parallel_loop3A_212, %parallel_loop3A_204 : vector<16xi32>
        %parallel_loop3A_214 = arith.constant 16 : i32
        %parallel_loop3A_215 = vector.broadcast %parallel_loop3A_214 : i32 to vector<16xi32>
        %parallel_loop3A_216 = arith.muli %parallel_loop3A_213, %parallel_loop3A_215 : vector<16xi32>
        %parallel_loop3A_217 = arith.addi %parallel_loop3A_216, %iota3A : vector<16xi32>
        tpu.vector_store_idx %arg7[%parallel_loop3A_217], %broadcast_in_dim3A_100 {add = true} : memref<5888xi32, #tpu.memory_space<vmem>>[vector<16xi32>], vector<16xi32>,
      } {sc.loop_unroll_factor = 8 : i64, sc.parallel_access}
      %add3A_144 = arith.constant 0 : i32
      %add3A_145 = arith.addi %mul3A_111, %add3A_144 : i32
      %add3A_146 = arith.constant 2 : i32
      %add3A_147 = arith.addi %add3A_145, %add3A_146 : i32
      %lt3A_148 = arith.constant 8 : i32
      %lt3A_149 = arith.cmpi slt, %add3A_147, %lt3A_148 : i32
      %convert_element_type3A = arith.extui %lt3A_149 : i1 to i32
      %cond3A = arith.constant 0 : i32
      %cond3A_150 = arith.cmpi ne, %convert_element_type3A, %cond3A : i32
      scf.if %cond3A_150 {
        %mul3A_193 = arith.constant 32 : i32
        %mul3A_194 = arith.muli %add3A_147, %mul3A_193 : i32
        %add3A_195 = arith.addi %mul3A_32, %mul3A_194 : i32
        %dma_start3A_196 = arith.constant 0 : i32
        %dma_start3A_197 = arith.constant 0 : i32
        %dma_start3A_198 = arith.constant 0 : i32
        %dma_start3A_199 = tpu.memref_slice %arg5[%dma_start3A_196, %dma_start3A_197, %dma_start3A_198] : memref<2x32x512xi32, #tpu.memory_space<vmem>> -> memref<1x32x512xi32, #tpu.memory_space<vmem>>
        %dma_start3A_200 = tpu.memref_squeeze %dma_start3A_199 : memref<1x32x512xi32, #tpu.memory_space<vmem>> -> memref<32x512xi32, #tpu.memory_space<vmem>>
        %dma_start3A_201 = arith.constant 0 : i32
        %dma_start3A_202 = tpu.memref_slice %arg2[%select_n3A, %add3A_195, %dma_start3A_201] : memref<16x512x512xi32, #tpu.memory_space<hbm>> -> memref<1x32x512xi32, #tpu.memory_space<hbm>>
        %dma_start3A_203 = tpu.memref_squeeze %dma_start3A_202 : memref<1x32x512xi32, #tpu.memory_space<hbm>> -> memref<32x512xi32, #tpu.memory_space<hbm>>
        %dma_start3A_204 = arith.constant 0 : i32
        %dma_start3A_205 = arith.constant 0 : i32
        %dma_start3A_206 = tpu.memref_slice %arg5[%dma_start3A_196, %dma_start3A_204, %dma_start3A_205] : memref<2x32x512xi32, #tpu.memory_space<vmem>> -> memref<1x32x512xi32, #tpu.memory_space<vmem>>
        %dma_start3A_207 = tpu.memref_squeeze %dma_start3A_206 : memref<1x32x512xi32, #tpu.memory_space<vmem>> -> memref<32x512xi32, #tpu.memory_space<vmem>>
        %dma_start3A_208 = arith.constant 0 : i32
        %dma_start3A_209 = tpu.memref_slice %arg2[%select_n3A, %add3A_195, %dma_start3A_208] : memref<16x512x512xi32, #tpu.memory_space<hbm>> -> memref<1x32x512xi32, #tpu.memory_space<hbm>>
        %dma_start3A_210 = tpu.memref_squeeze %dma_start3A_209 : memref<1x32x512xi32, #tpu.memory_space<hbm>> -> memref<32x512xi32, #tpu.memory_space<hbm>>
        tpu.enqueue_dma source(%dma_start3A_210 : memref<32x512xi32, #tpu.memory_space<hbm>>) target(%dma_start3A_207 : memref<32x512xi32, #tpu.memory_space<vmem>>) target_semaphore(%arg8 : memref<!tpu.dma_semaphore, #tpu.memory_space<semaphore_mem>>)
        %dma_start3A_211 = arith.constant 0 : i32
        %dma_start3A_212 = arith.constant 0 : i32
        %dma_start3A_213 = arith.constant 0 : i32
        %dma_start3A_214 = tpu.memref_slice %arg6[%dma_start3A_211, %dma_start3A_212, %dma_start3A_213] : memref<2x32x512xi32, #tpu.memory_space<vmem>> -> memref<1x32x512xi32, #tpu.memory_space<vmem>>
        %dma_start3A_215 = tpu.memref_squeeze %dma_start3A_214 : memref<1x32x512xi32, #tpu.memory_space<vmem>> -> memref<32x512xi32, #tpu.memory_space<vmem>>
        %dma_start3A_216 = arith.constant 0 : i32
        %dma_start3A_217 = tpu.memref_slice %arg3[%select_n3A, %add3A_195, %dma_start3A_216] : memref<16x512x512xi32, #tpu.memory_space<hbm>> -> memref<1x32x512xi32, #tpu.memory_space<hbm>>
        %dma_start3A_218 = tpu.memref_squeeze %dma_start3A_217 : memref<1x32x512xi32, #tpu.memory_space<hbm>> -> memref<32x512xi32, #tpu.memory_space<hbm>>
        %dma_start3A_219 = arith.constant 0 : i32
        %dma_start3A_220 = arith.constant 0 : i32
        %dma_start3A_221 = tpu.memref_slice %arg6[%dma_start3A_211, %dma_start3A_219, %dma_start3A_220] : memref<2x32x512xi32, #tpu.memory_space<vmem>> -> memref<1x32x512xi32, #tpu.memory_space<vmem>>
        %dma_start3A_222 = tpu.memref_squeeze %dma_start3A_221 : memref<1x32x512xi32, #tpu.memory_space<vmem>> -> memref<32x512xi32, #tpu.memory_space<vmem>>
        %dma_start3A_223 = arith.constant 0 : i32
        %dma_start3A_224 = tpu.memref_slice %arg3[%select_n3A, %add3A_195, %dma_start3A_223] : memref<16x512x512xi32, #tpu.memory_space<hbm>> -> memref<1x32x512xi32, #tpu.memory_space<hbm>>
        %dma_start3A_225 = tpu.memref_squeeze %dma_start3A_224 : memref<1x32x512xi32, #tpu.memory_space<hbm>> -> memref<32x512xi32, #tpu.memory_space<hbm>>
        tpu.enqueue_dma source(%dma_start3A_225 : memref<32x512xi32, #tpu.memory_space<hbm>>) target(%dma_start3A_222 : memref<32x512xi32, #tpu.memory_space<vmem>>) target_semaphore(%arg8 : memref<!tpu.dma_semaphore, #tpu.memory_space<semaphore_mem>>)
      } else {
      }
      %dma_wait3A_151 = arith.constant 1 : i32
      %dma_wait3A_152 = arith.constant 0 : i32
      %dma_wait3A_153 = arith.constant 0 : i32
      %dma_wait3A_154 = tpu.memref_slice %arg5[%dma_wait3A_151, %dma_wait3A_152, %dma_wait3A_153] : memref<2x32x512xi32, #tpu.memory_space<vmem>> -> memref<1x32x512xi32, #tpu.memory_space<vmem>>
      %dma_wait3A_155 = tpu.memref_squeeze %dma_wait3A_154 : memref<1x32x512xi32, #tpu.memory_space<vmem>> -> memref<32x512xi32, #tpu.memory_space<vmem>>
      %dma_wait3A_156 = arith.constant 0 : i32
      %dma_wait3A_157 = tpu.memref_slice %arg2[%select_n3A, %mul3A_32, %dma_wait3A_156] : memref<16x512x512xi32, #tpu.memory_space<hbm>> -> memref<1x32x512xi32, #tpu.memory_space<hbm>>
      %dma_wait3A_158 = tpu.memref_squeeze %dma_wait3A_157 : memref<1x32x512xi32, #tpu.memory_space<hbm>> -> memref<32x512xi32, #tpu.memory_space<hbm>>
      %dma_wait3A_159 = arith.constant 0 : i32
      %dma_wait3A_160 = arith.constant 0 : i32
      %dma_wait3A_161 = tpu.memref_slice %arg5[%dma_wait3A_151, %dma_wait3A_159, %dma_wait3A_160] : memref<2x32x512xi32, #tpu.memory_space<vmem>> -> memref<1x32x512xi32, #tpu.memory_space<vmem>>
      %dma_wait3A_162 = tpu.memref_squeeze %dma_wait3A_161 : memref<1x32x512xi32, #tpu.memory_space<vmem>> -> memref<32x512xi32, #tpu.memory_space<vmem>>
      %dma_wait3A_163 = arith.constant 0 : i32
      %dma_wait3A_164 = tpu.memref_slice %arg2[%select_n3A, %mul3A_32, %dma_wait3A_163] : memref<16x512x512xi32, #tpu.memory_space<hbm>> -> memref<1x32x512xi32, #tpu.memory_space<hbm>>
      %dma_wait3A_165 = tpu.memref_squeeze %dma_wait3A_164 : memref<1x32x512xi32, #tpu.memory_space<hbm>> -> memref<32x512xi32, #tpu.memory_space<hbm>>
      tpu.wait_dma2 semaphore(%arg9 : memref<!tpu.dma_semaphore, #tpu.memory_space<semaphore_mem>>) src(%dma_wait3A_165 : memref<32x512xi32, #tpu.memory_space<hbm>>) dst(%dma_wait3A_162 : memref<32x512xi32, #tpu.memory_space<vmem>>)
      %dma_wait3A_166 = arith.constant 1 : i32
      %dma_wait3A_167 = arith.constant 0 : i32
      %dma_wait3A_168 = arith.constant 0 : i32
      %dma_wait3A_169 = tpu.memref_slice %arg6[%dma_wait3A_166, %dma_wait3A_167, %dma_wait3A_168] : memref<2x32x512xi32, #tpu.memory_space<vmem>> -> memref<1x32x512xi32, #tpu.memory_space<vmem>>
      %dma_wait3A_170 = tpu.memref_squeeze %dma_wait3A_169 : memref<1x32x512xi32, #tpu.memory_space<vmem>> -> memref<32x512xi32, #tpu.memory_space<vmem>>
      %dma_wait3A_171 = arith.constant 0 : i32
      %dma_wait3A_172 = tpu.memref_slice %arg3[%select_n3A, %mul3A_32, %dma_wait3A_171] : memref<16x512x512xi32, #tpu.memory_space<hbm>> -> memref<1x32x512xi32, #tpu.memory_space<hbm>>
      %dma_wait3A_173 = tpu.memref_squeeze %dma_wait3A_172 : memref<1x32x512xi32, #tpu.memory_space<hbm>> -> memref<32x512xi32, #tpu.memory_space<hbm>>
      %dma_wait3A_174 = arith.constant 0 : i32
      %dma_wait3A_175 = arith.constant 0 : i32
      %dma_wait3A_176 = tpu.memref_slice %arg6[%dma_wait3A_166, %dma_wait3A_174, %dma_wait3A_175] : memref<2x32x512xi32, #tpu.memory_space<vmem>> -> memref<1x32x512xi32, #tpu.memory_space<vmem>>
      %dma_wait3A_177 = tpu.memref_squeeze %dma_wait3A_176 : memref<1x32x512xi32, #tpu.memory_space<vmem>> -> memref<32x512xi32, #tpu.memory_space<vmem>>
      %dma_wait3A_178 = arith.constant 0 : i32
      %dma_wait3A_179 = tpu.memref_slice %arg3[%select_n3A, %mul3A_32, %dma_wait3A_178] : memref<16x512x512xi32, #tpu.memory_space<hbm>> -> memref<1x32x512xi32, #tpu.memory_space<hbm>>
      %dma_wait3A_180 = tpu.memref_squeeze %dma_wait3A_179 : memref<1x32x512xi32, #tpu.memory_space<hbm>> -> memref<32x512xi32, #tpu.memory_space<hbm>>
      tpu.wait_dma2 semaphore(%arg9 : memref<!tpu.dma_semaphore, #tpu.memory_space<semaphore_mem>>) src(%dma_wait3A_180 : memref<32x512xi32, #tpu.memory_space<hbm>>) dst(%dma_wait3A_177 : memref<32x512xi32, #tpu.memory_space<vmem>>)
      %parallel_loop3A_181 = arith.constant 0 : i32
      %parallel_loop3A_182 = arith.constant 1024 : i32
      %parallel_loop3A_183 = arith.constant 1 : i32
      scf.for %parallel_loop3A_193 = %parallel_loop3A_181 to %parallel_loop3A_182 step %parallel_loop3A_183  : i32 {
        %parallel_loop3A_194 = arith.constant 5 : i32
        %parallel_loop3A_195 = arith.shrsi %parallel_loop3A_193, %parallel_loop3A_194 : i32
        %parallel_loop3A_196 = arith.constant 31 : i32
        %parallel_loop3A_197 = arith.andi %parallel_loop3A_193, %parallel_loop3A_196 : i32
        %parallel_loop3A_198 = arith.constant 16 : i32
        %parallel_loop3A_199 = arith.muli %parallel_loop3A_197, %parallel_loop3A_198 : i32
        %parallel_loop3A_200 = arith.constant 1 : i32
        %parallel_loop3A_201 = arith.index_cast %parallel_loop3A_200 : i32 to index
        %parallel_loop3A_202 = arith.index_cast %parallel_loop3A_195 : i32 to index
        %parallel_loop3A_203 = arith.index_cast %parallel_loop3A_199 : i32 to index
        %parallel_loop3A_204 = tpu.vector_load %arg5[%parallel_loop3A_201, %parallel_loop3A_202, %parallel_loop3A_203] {strides = array<i32>} : memref<2x32x512xi32, #tpu.memory_space<vmem>>, vector<16xi32>,
        %parallel_loop3A_205 = arith.constant 1 : i32
        %parallel_loop3A_206 = arith.index_cast %parallel_loop3A_205 : i32 to index
        %parallel_loop3A_207 = arith.index_cast %parallel_loop3A_195 : i32 to index
        %parallel_loop3A_208 = arith.index_cast %parallel_loop3A_199 : i32 to index
        %parallel_loop3A_209 = tpu.vector_load %arg6[%parallel_loop3A_206, %parallel_loop3A_207, %parallel_loop3A_208] {strides = array<i32>} : memref<2x32x512xi32, #tpu.memory_space<vmem>>, vector<16xi32>,
        %parallel_loop3A_210 = arith.constant 19 : i32
        %parallel_loop3A_211 = vector.broadcast %parallel_loop3A_210 : i32 to vector<16xi32>
        %parallel_loop3A_212 = arith.muli %parallel_loop3A_209, %parallel_loop3A_211 : vector<16xi32>
        %parallel_loop3A_213 = arith.addi %parallel_loop3A_212, %parallel_loop3A_204 : vector<16xi32>
        %parallel_loop3A_214 = arith.constant 16 : i32
        %parallel_loop3A_215 = vector.broadcast %parallel_loop3A_214 : i32 to vector<16xi32>
        %parallel_loop3A_216 = arith.muli %parallel_loop3A_213, %parallel_loop3A_215 : vector<16xi32>
        %parallel_loop3A_217 = arith.addi %parallel_loop3A_216, %iota3A : vector<16xi32>
        tpu.vector_store_idx %arg7[%parallel_loop3A_217], %broadcast_in_dim3A_100 {add = true} : memref<5888xi32, #tpu.memory_space<vmem>>[vector<16xi32>], vector<16xi32>,
      } {sc.loop_unroll_factor = 8 : i64, sc.parallel_access}
      %add3A_184 = arith.constant 1 : i32
      %add3A_185 = arith.addi %mul3A_111, %add3A_184 : i32
      %add3A_186 = arith.constant 2 : i32
      %add3A_187 = arith.addi %add3A_185, %add3A_186 : i32
      %lt3A_188 = arith.constant 8 : i32
      %lt3A_189 = arith.cmpi slt, %add3A_187, %lt3A_188 : i32
      %convert_element_type3A_190 = arith.extui %lt3A_189 : i1 to i32
      %cond3A_191 = arith.constant 0 : i32
      %cond3A_192 = arith.cmpi ne, %convert_element_type3A_190, %cond3A_191 : i32
      scf.if %cond3A_192 {
        %mul3A_193 = arith.constant 32 : i32
        %mul3A_194 = arith.muli %add3A_187, %mul3A_193 : i32
        %add3A_195 = arith.addi %mul3A_32, %mul3A_194 : i32
        %dma_start3A_196 = arith.constant 1 : i32
        %dma_start3A_197 = arith.constant 0 : i32
        %dma_start3A_198 = arith.constant 0 : i32
        %dma_start3A_199 = tpu.memref_slice %arg5[%dma_start3A_196, %dma_start3A_197, %dma_start3A_198] : memref<2x32x512xi32, #tpu.memory_space<vmem>> -> memref<1x32x512xi32, #tpu.memory_space<vmem>>
        %dma_start3A_200 = tpu.memref_squeeze %dma_start3A_199 : memref<1x32x512xi32, #tpu.memory_space<vmem>> -> memref<32x512xi32, #tpu.memory_space<vmem>>
        %dma_start3A_201 = arith.constant 0 : i32
        %dma_start3A_202 = tpu.memref_slice %arg2[%select_n3A, %add3A_195, %dma_start3A_201] : memref<16x512x512xi32, #tpu.memory_space<hbm>> -> memref<1x32x512xi32, #tpu.memory_space<hbm>>
        %dma_start3A_203 = tpu.memref_squeeze %dma_start3A_202 : memref<1x32x512xi32, #tpu.memory_space<hbm>> -> memref<32x512xi32, #tpu.memory_space<hbm>>
        %dma_start3A_204 = arith.constant 0 : i32
        %dma_start3A_205 = arith.constant 0 : i32
        %dma_start3A_206 = tpu.memref_slice %arg5[%dma_start3A_196, %dma_start3A_204, %dma_start3A_205] : memref<2x32x512xi32, #tpu.memory_space<vmem>> -> memref<1x32x512xi32, #tpu.memory_space<vmem>>
        %dma_start3A_207 = tpu.memref_squeeze %dma_start3A_206 : memref<1x32x512xi32, #tpu.memory_space<vmem>> -> memref<32x512xi32, #tpu.memory_space<vmem>>
        %dma_start3A_208 = arith.constant 0 : i32
        %dma_start3A_209 = tpu.memref_slice %arg2[%select_n3A, %add3A_195, %dma_start3A_208] : memref<16x512x512xi32, #tpu.memory_space<hbm>> -> memref<1x32x512xi32, #tpu.memory_space<hbm>>
        %dma_start3A_210 = tpu.memref_squeeze %dma_start3A_209 : memref<1x32x512xi32, #tpu.memory_space<hbm>> -> memref<32x512xi32, #tpu.memory_space<hbm>>
        tpu.enqueue_dma source(%dma_start3A_210 : memref<32x512xi32, #tpu.memory_space<hbm>>) target(%dma_start3A_207 : memref<32x512xi32, #tpu.memory_space<vmem>>) target_semaphore(%arg9 : memref<!tpu.dma_semaphore, #tpu.memory_space<semaphore_mem>>)
        %dma_start3A_211 = arith.constant 1 : i32
        %dma_start3A_212 = arith.constant 0 : i32
        %dma_start3A_213 = arith.constant 0 : i32
        %dma_start3A_214 = tpu.memref_slice %arg6[%dma_start3A_211, %dma_start3A_212, %dma_start3A_213] : memref<2x32x512xi32, #tpu.memory_space<vmem>> -> memref<1x32x512xi32, #tpu.memory_space<vmem>>
        %dma_start3A_215 = tpu.memref_squeeze %dma_start3A_214 : memref<1x32x512xi32, #tpu.memory_space<vmem>> -> memref<32x512xi32, #tpu.memory_space<vmem>>
        %dma_start3A_216 = arith.constant 0 : i32
        %dma_start3A_217 = tpu.memref_slice %arg3[%select_n3A, %add3A_195, %dma_start3A_216] : memref<16x512x512xi32, #tpu.memory_space<hbm>> -> memref<1x32x512xi32, #tpu.memory_space<hbm>>
        %dma_start3A_218 = tpu.memref_squeeze %dma_start3A_217 : memref<1x32x512xi32, #tpu.memory_space<hbm>> -> memref<32x512xi32, #tpu.memory_space<hbm>>
        %dma_start3A_219 = arith.constant 0 : i32
        %dma_start3A_220 = arith.constant 0 : i32
        %dma_start3A_221 = tpu.memref_slice %arg6[%dma_start3A_211, %dma_start3A_219, %dma_start3A_220] : memref<2x32x512xi32, #tpu.memory_space<vmem>> -> memref<1x32x512xi32, #tpu.memory_space<vmem>>
        %dma_start3A_222 = tpu.memref_squeeze %dma_start3A_221 : memref<1x32x512xi32, #tpu.memory_space<vmem>> -> memref<32x512xi32, #tpu.memory_space<vmem>>
        %dma_start3A_223 = arith.constant 0 : i32
        %dma_start3A_224 = tpu.memref_slice %arg3[%select_n3A, %add3A_195, %dma_start3A_223] : memref<16x512x512xi32, #tpu.memory_space<hbm>> -> memref<1x32x512xi32, #tpu.memory_space<hbm>>
        %dma_start3A_225 = tpu.memref_squeeze %dma_start3A_224 : memref<1x32x512xi32, #tpu.memory_space<hbm>> -> memref<32x512xi32, #tpu.memory_space<hbm>>
        tpu.enqueue_dma source(%dma_start3A_225 : memref<32x512xi32, #tpu.memory_space<hbm>>) target(%dma_start3A_222 : memref<32x512xi32, #tpu.memory_space<vmem>>) target_semaphore(%arg9 : memref<!tpu.dma_semaphore, #tpu.memory_space<semaphore_mem>>)
      } else {
      }
    }
    %scan3A_104 = arith.constant 4 : i32
    "tpu.region"() ({
      %run_scoped3A = tpu.sem_alloc : memref<!tpu.dma_semaphore, #tpu.memory_space<semaphore_mem>>
      %dma_start3A_105 = arith.constant 0 : i32
      %dma_start3A_106 = tpu.memref_slice %arg4[%add3A, %dma_start3A_105] : memref<32x5888xi32, #tpu.memory_space<hbm>> -> memref<1x5888xi32, #tpu.memory_space<hbm>>
      %dma_start3A_107 = tpu.memref_squeeze %dma_start3A_106 : memref<1x5888xi32, #tpu.memory_space<hbm>> -> memref<5888xi32, #tpu.memory_space<hbm>>
      %dma_start3A_108 = arith.constant 0 : i32
      %dma_start3A_109 = tpu.memref_slice %arg4[%add3A, %dma_start3A_108] : memref<32x5888xi32, #tpu.memory_space<hbm>> -> memref<1x5888xi32, #tpu.memory_space<hbm>>
      %dma_start3A_110 = tpu.memref_squeeze %dma_start3A_109 : memref<1x5888xi32, #tpu.memory_space<hbm>> -> memref<5888xi32, #tpu.memory_space<hbm>>
      tpu.enqueue_dma source(%arg7 : memref<5888xi32, #tpu.memory_space<vmem>>) target(%dma_start3A_110 : memref<5888xi32, #tpu.memory_space<hbm>>) target_semaphore(%run_scoped3A : memref<!tpu.dma_semaphore, #tpu.memory_space<semaphore_mem>>)
      %dma_wait3A = arith.constant 0 : i32
      %dma_wait3A_111 = tpu.memref_slice %arg4[%add3A, %dma_wait3A] : memref<32x5888xi32, #tpu.memory_space<hbm>> -> memref<1x5888xi32, #tpu.memory_space<hbm>>
      %dma_wait3A_112 = tpu.memref_squeeze %dma_wait3A_111 : memref<1x5888xi32, #tpu.memory_space<hbm>> -> memref<5888xi32, #tpu.memory_space<hbm>>
      %dma_wait3A_113 = arith.constant 0 : i32
      %dma_wait3A_114 = tpu.memref_slice %arg4[%add3A, %dma_wait3A_113] : memref<32x5888xi32, #tpu.memory_space<hbm>> -> memref<1x5888xi32, #tpu.memory_space<hbm>>
      %dma_wait3A_115 = tpu.memref_squeeze %dma_wait3A_114 : memref<1x5888xi32, #tpu.memory_space<hbm>> -> memref<5888xi32, #tpu.memory_space<hbm>>
      tpu.wait_dma2 semaphore(%run_scoped3A : memref<!tpu.dma_semaphore, #tpu.memory_space<semaphore_mem>>) src(%arg7 : memref<5888xi32, #tpu.memory_space<vmem>>) dst(%dma_wait3A_115 : memref<5888xi32, #tpu.memory_space<hbm>>)
      tpu.yield
    }) : () -> ()
    return
  }
}

</mosaic_0001>

<sc_bundles>
// kernel: kernel.3.cloned.1.call-start
scs
__scs_entry_jumppad:
0x0: {  	(pc) =	sbr.rel $0x88, $3  }
0x1: {  	(tag) =	ssettag $0x0;
	lr =	simm.s32 $0x1  }
0x2: {  	[smem:$0x3F9F] =	sst lr;
	_ =	strace $0xD0000000  }
0x3: {  	_ = 	snop  }
0x4: {  	_ = 	snop  }
0x5: {  	_ = 	snop  }
0x6: {  	_ = 	snop  }
0x7: {  	_ = 	snop  }
__scs_overlays_trampoline_lowered:
0x8: {  	[smem:$0x3FAE] =	sst s0  }
0x9: {  	[smem:$0x3FAF] =	sst s1  }
0xa: {  	[smem:$0x3FB0] =	sst s2  }
0xb: {  	[smem:$0x3FB1] =	sst s3  }
0xc: {  	[smem:$0x3FB2] =	sst s4  }
0xd: {  	[smem:$0x3FB3] =	sst s5  }
0xe: {  	[smem:$0x3FB4] =	sst s6  }
0xf: {  	[smem:$0x3FB5] =	sst s7  }
0x10: {  	[smem:$0x3FB6] =	sst s8  }
0x11: {  	[smem:$0x3FB7] =	sst s9;
	s0 =	simm.s32 @!p0 $0x0  }
0x12: {  	s1 =	sld [smem:$0x3F9D];
	s0 =	simm.s32 @p0 $0x1  }
0x13: {  	[smem:$0x3FB8] =	sst s0;
	s0 =	simm.s32 @!p1 $0x0  }
0x14: {  	s2 =	sld [smem:$0x3F9C];
	s0 =	simm.s32 @p1 $0x1  }
0x15: {  	[smem:$0x3FB9] =	sst s0;
	s0 =	simm.s32 @!p2 $0x0  }
0x16: {  	s3 =	sld [smem:$0x3FDB];
	s0 =	simm.s32 @p2 $0x1  }
0x17: {  	s4 =	simm.s32 $0x1BF5;
	[smem:$0x3FBB] =	sst s0  }
0x18: {  	s0 =	sld [smem:$0x3F9E];
	_ =	swait.ge [sflag:s4], $0x0  }
0x19: {  	s7 =	sld [smem:$0x3F9F]  }
0x1a: {  	s8 =	sadd.s32 $0xFFFFE003, lr  }
0x1b: {  	s9 =	sadd.s32 $0xFFFFFEF7, lr;
	s5 =	simm.s32 $0xFFFFFFFF;
	p2 =	slt.u32 s8, $0xFFFFF086  }
0x1c: {  	p1 =	slt.u32 s9, $0xF7A;
	s5 =	simm.s32 @!p2 $0x0  }
0x1d: {  	s5 =	simm.s32 @p1 $0x1;
	p0 =	seq.s32 s7, s2  }
0x1e: {  	s7 =	smul.u32 @!p0 $0xF7A, s2;
	p2 =	seq.s32 @!p0 s5, $0x0  }
0x1f: {  	s9 =	smul.u32 $0xF7A, s1;
	s8 =	simm.s32 @!p0 $0x1BF5;
	p2 =	por !p2, p0  }
0x20: {  	[sflag:s8] =	ssyncset.s32 @!p0 $0xFFFFF086;
	s6 =	sadd.s32 @!p0 s3, s7;
	s7 =	simm.s32 @!p0 $0x108  }
0x21: {  	s3 =	sadd.s32 s3, s9;
	s6 =	sadd.s32 @!p0 $0x88, s6;
	s7 =	simm.s32 @p2 $0x1082  }
0x22: {  	[simem:s7], [sflag:s8] =	dma.local @!p0 [hbm:s6], $0xF7A  }
0x23: {  	s9 =	sor.u32 $0xD0000000, s2;
	s6 =	simm.s32 $0x108;
	_ =	swait.ge @!p0 [sflag:s8], $0x0  }
0x24: {  	s3 =	sadd.s32 $0x88, s3;
	s6 =	simm.s32 @!p1 $0x1082;
	[sflag:s4] =	ssyncset.s32 $0xFFFFF086  }
0x25: {  	[simem:s6], [sflag:s4] =	dma.local [hbm:s3], $0xF7A  }
0x26: {  	[smem:$0x3F9F] =	sst s1;
	(tag) =	ssettag s2;
	_ =	strace s9  }
0x27: {  	s1 =	sld [smem:$0x3FAF]  }
0x28: {  	s2 =	sld [smem:$0x3FB0]  }
0x29: {  	s4 =	sld [smem:$0x3FB2]  }
0x2a: {  	p0 =	seq.s32 s5, $0x0;
	s5 =	sld [smem:$0x3FB3]  }
0x2b: {  	s6 =	sld [smem:$0x3FB4]  }
0x2c: {  	s7 =	sld [smem:$0x3FB5]  }
0x2d: {  	s3 =	simm.s32 $0x108;
	s8 =	sld [smem:$0x3FB6]  }
0x2e: {  	s3 =	simm.s32 @!p0 $0x1082;
	s9 =	sld [smem:$0x3FB7]  }
0x2f: {  	lr =	sadd.s32 s0, s3;
	s0 =	sld [smem:$0x3FAE]  }
0x30: {  	s3 =	sld [smem:$0x3FB1]  }
0x31: {  	[smem:$0x3FBA] =	sst s10  }
0x32: {  	s10 =	sld [smem:$0x3FB8];
	_ =	sdelay $0x3  }
0x33: {  	p0 =	seq.s32 s10, $0x1;
	s10 =	sld [smem:$0x3FBA];
	_ =	sdelay $0x3  }
0x34: {  	[smem:$0x3FBA] =	sst s10  }
0x35: {  	s10 =	sld [smem:$0x3FB9];
	_ =	sdelay $0x3  }
0x36: {  	p1 =	seq.s32 s10, $0x1;
	s10 =	sld [smem:$0x3FBA];
	_ =	sdelay $0x3  }
0x37: {  	[smem:$0x3FBA] =	sst s10  }
0x38: {  	s10 =	sld [smem:$0x3FBB]  }
0x39: {  	_ = 	snop;
	(pc) =	sbr.ind lr, $3  }
0x3a: {  	_ = 	snop  }
0x3b: {  	_ = 	snop  }
0x3c: {  	p2 =	seq.s32 s10, $0x1;
	s10 =	sld [smem:$0x3FBA]  }
0x3d: {  	_ =	shalt  }
0x3e: {  	_ =	shalt  }
0x3f: {  	_ =	shalt  }
0x40: {  	_ =	shalt  }
0x41: {  	_ =	shalt  }
0x42: {  	_ =	shalt  }
0x43: {  	_ =	shalt  }
0x44: {  	_ =	shalt  }
0x45: {  	_ =	shalt  }
0x46: {  	_ =	shalt  }
0x47: {  	_ =	shalt  }
0x48: {  	_ =	shalt  }
0x49: {  	_ =	shalt  }
0x4a: {  	_ =	shalt  }
0x4b: {  	_ =	shalt  }
0x4c: {  	_ =	shalt  }
0x4d: {  	_ =	shalt  }
0x4e: {  	_ =	shalt  }
0x4f: {  	_ =	shalt  }
0x50: {  	_ =	shalt  }
0x51: {  	_ =	shalt  }
0x52: {  	_ =	shalt  }
0x53: {  	_ =	shalt  }
0x54: {  	_ =	shalt  }
0x55: {  	_ =	shalt  }
0x56: {  	_ =	shalt  }
0x57: {  	_ =	shalt  }
0x58: {  	_ =	shalt  }
0x59: {  	_ =	shalt  }
0x5a: {  	_ =	shalt  }
0x5b: {  	_ =	shalt  }
0x5c: {  	_ =	shalt  }
0x5d: {  	_ =	shalt  }
0x5e: {  	_ =	shalt  }
0x5f: {  	_ =	shalt  }
0x60: {  	_ =	shalt  }
0x61: {  	_ =	shalt  }
0x62: {  	_ =	shalt  }
0x63: {  	_ =	shalt  }
0x64: {  	_ =	shalt  }
0x65: {  	_ =	shalt  }
0x66: {  	_ =	shalt  }
0x67: {  	_ =	shalt  }
0x68: {  	_ =	shalt  }
0x69: {  	_ =	shalt  }
0x6a: {  	_ =	shalt  }
0x6b: {  	_ =	shalt  }
0x6c: {  	_ =	shalt  }
0x6d: {  	_ =	shalt  }
0x6e: {  	_ =	shalt  }
0x6f: {  	_ =	shalt  }
0x70: {  	_ =	shalt  }
0x71: {  	_ =	shalt  }
0x72: {  	_ =	shalt  }
0x73: {  	_ =	shalt  }
0x74: {  	_ =	shalt  }
0x75: {  	_ =	shalt  }
0x76: {  	_ =	shalt  }
0x77: {  	_ =	shalt  }
0x78: {  	_ =	shalt  }
0x79: {  	_ =	shalt  }
0x7a: {  	_ =	shalt  }
0x7b: {  	_ =	shalt  }
0x7c: {  	_ =	shalt  }
0x7d: {  	_ =	shalt  }
0x7e: {  	_ =	shalt  }
0x7f: {  	_ =	shalt  }
0x80: {  	_ =	shalt  }
0x81: {  	_ =	shalt  }
0x82: {  	_ =	shalt  }
0x83: {  	_ =	shalt  }
0x84: {  	_ =	shalt  }
0x85: {  	_ =	shalt  }
0x86: {  	_ =	shalt  }
0x87: {  	_ =	shalt  }
.Lfunc_end0:
.L_simem_size_0:
called_computation_lowered:
.L_overlay_start_0:
0x88: {  	s2 =	sld [smem:$0x3FD9]  }
0x89: {  	s3 =	sld [smem:$0x3FFE];
	_ =	sdelay $0x1  }
0x8a: {  	s1 =	srdreg.scid  }
0x8b: {  	s0 =	sand.u32 $0x1, s1  }
0x8c: {  	s17 =	sshll.u32 s0, $0xA;
	s2 =	sadd.s32 s3, s2  }
0x8d: {  	s2 =	sadd.s32 s2, s17  }
0x8e: {  	[smem:$0x3FC6] =	sst s2  }
0x8f: {  	_ = 	snop  }
0x90: {  	s2 =	sld [smem:$0x3FC9]  }
0x91: {  	s18 =	sld [smem:$0x3FC8];
	(tm) =	ssettm $0x1  }
0x92: {  	s4 =	sld [smem:$0x3FFB];
	_ =	sdelay $0x3  }
0x93: {  	_ =	strace s4  }
0x94: {  	s4 =	sld [smem:$0x3FFC];
	_ =	sdelay $0x3  }
0x95: {  	_ =	strace s4  }
0x96: {  	s4 =	sld [smem:$0x3FFD];
	_ =	sdelay $0x3  }
0x97: {  	_ =	strace s4  }
0x98: {  	_ =	strace $0x8FFFFFFF  }
0x99: {  	s19 =	sld [smem:$0x3FDB];
	_ =	sdelay $0x1  }
0x9a: {  	s5 =	simm.s32 $_scs_section_size  }
0x9b: {  	s6 =	simm.s32 $_size__tile_overlayer_lowered;
	s7 =	simm.s32 $_tile_overlayer_lowered  }
0x9c: {  	s22 =	simm.s32 $0x1BFF;
	s21 =	sshll.u32 s7, $0x1;
	s4 =	sadd.s32 s5, s19  }
0x9d: {  	s8 =	simm.s32 $0x0;
	s20 =	sshll.u32 s6, $0x1;
	s6 =	sadd.s32 s21, s4  }
0x9e: {  	[timem:s8], [sflag:s22] =	dma.local [hbm:s6], s20  }
0x9f: {  	_ =	swait.ge [sflag:s22], s20  }
0xa0: {  	s5 =	ssub.s32 $0x0, s20;
	[sflag:s22] =	ssyncset.done $0x0  }
0xa1: {  	[sflag:s22] =	ssyncadd.s32 s5;
	_ =	sdelay $0x1  }
0xa2: {  	s23 =	simm.s32 $0x1B8B  }
0xa3: {  	_ =	swait.ge [sflag:s23], $0x1  }
0xa4: {  	[sflag:s23] =	ssyncset.done $0x0  }
0xa5: {  	s25 =	simm.s32 $0x1B8E;
	s24 =	sld [smem:$0x3FFE];
	[sflag:s23] =	ssyncadd.s32 $0xFFFFFFFF  }
0xa6: {  	s26 =	simm.s32 $execute0_lowered;
	[smem:$0x3FD2] =	sst s25  }
0xa7: {  	s6 =	sshll.u32 s26, $0x1;
	_ =	strace $0x80000046;
	[dreg:$0x1] =	wrdreg $0xFFFFFFFF  }
0xa8: {  	s28 =	simm.s32 $_size_execute0_lowered;
	s4 =	sadd.s32 s4, s6;
	[dreg:$0x0] =	wrdreg $0x0  }
0xa9: {  	s6 =	sshll.u32 s28, $0x1;
	[dreg:$0x2] =	wrdreg s4  }
0xaa: {  	[dreg:$0x3] =	wrdreg s6  }
0xab: {  	[dreg:$0x4] =	wrdreg $0xC0  }
0xac: {  	_ =	task [dreg:s8], $0x5FFFF  }
0xad: {  	[dreg:$0x1] =	wrdreg $0xFFFFFFFF  }
0xae: {  	[dreg:$0x0] =	wrdreg $0x60  }
0xaf: {  	[dreg:$0x2] =	wrdreg s2  }
0xb0: {  	[dreg:$0x3] =	wrdreg s18  }
0xb1: {  	[dreg:$0x4] =	wrdreg s24  }
0xb2: {  	[dreg:$0x5] =	wrdreg $0x9  }
0xb3: {  	_ =	task.clear_ibuf [dreg:s8], $0x6FFFF;
	_ =	strace $0x90000046  }
0xb4: {  	s29 =	simm.s32 $0x9;
	_ =	strace $0x80000048  }
0xb5: {  	_ =	swait.ge [sflag:s29], $0x1  }
0xb6: {  	[sflag:s29] =	ssyncadd.s32 $0xFFFFFFFF  }
0xb7: {  	_ =	strace $0x90000048  }
0xb8: {  	_ =	sfence  }
0xb9: {  	s30 =	sld [smem:$0x0];
	_ =	sdelay $0x2  }
0xba: {  	s31 =	sshll.u32 s1, $0xD;
	s1 =	sshrl.u32 s1, $0x2  }
0xbb: {  	s3 =	sand.u32 $0x4000, s31;
	s1 =	sadd.s32 s1, s30  }
0xbc: {  	s0 =	sor.u32 s3, s0;
	s1 =	sshll.u32 s1, $0x11  }
0xbd: {  	s0 =	sor.u32 s1, s0  }
0xbe: {  	s0 =	sadd.s32 $0x8F2B, s0  }
0xbf: {  	[sflag:s0] =	ssyncadd.remote.s32 $0x1  }
0xc0: {  	_ =	sfence.sel $0xFFFF  }
0xc1: {  	[dreg:$0x0] =	wrdreg $0xFFFFFFFF;
	(pc) =	sbr.abs _section_cstart, $3  }
0xc2: {  	[dreg:$0x1] =	wrdreg $0xFFFFFFFF  }
0xc3: {  	_ =	task.clear_ibuf [dreg:s8], $0x2FFFF;
	_ =	strace $0x9FFFFFFF  }
0xc4: {  	(tm) =	ssettm $0x7FFFFFFF  }
0xc5: {  	_ =	shalt  }
tec
execute0_lowered:
.L_overlay_start_1:
0x0: {  	(tag) =	ssettag $0x1  }
0x1: {  	s0 =	rddreg [dreg:$0x0]  }
0x2: {  	s3 =	rddreg [dreg:$0x1]  }
0x3: {  	s1 =	srdreg.scid;
	s12 =	rddreg [dreg:$0x2]  }
0x4: {  	s2 =	stileid.u32;
	s15 =	simm.s32 $0x4000;
	s16 =	simm.s32 $0xC000  }
0x5: {  	s17 =	simm.s32 $0x10000;
	s18 =	simm.s32 $0x2;
	s19 =	simm.s32 $0x80  }
0x6: {  	s20 =	simm.s32 $0x400;
	s21 =	simm.s32 $0x3;
	s22 =	simm.s32 $0x0  }
0x7: {  	s5 =	sand.u32 $0x1, s1;
	s1 =	rddreg [dreg:$0x3];
	s7 =	sand.u32 $0x1, s2  }
0x8: {  	s29 =	sshll.u32 s2, $0x11;
	s31 =	sshll.u32 s2, $0x7;
	s4 =	sshll.u32 s5, $0x4  }
0x9: {  	p1 =	seq.s32 s7, $0x1;
	s7 =	simm.s32 $0x1;
	s6 =	sor.u32 s2, s4  }
0xa: {  	s5 =	ssub.s32 $0x2, s5;
	s14 =	sand.u32 $0x380, s31;
	p0 =	seq.s32 s6, $0x0  }
0xb: {  	s4 =	simm.s32 $0x0;
	s9 =	sshrl.u32 s5, $0x1;
	p0 =	por !p0, !p1  }
0xc: {  	[smem:$0x7FF] =	sst s4;
	s8 =	sshrl.u32 s6, $0x1;
	p0 =	por !p0, !p0  }
0xd: {  	s13 =	ssub.s32 s5, s9;
	s6 =	sshrl.u32 s6, $0x3;
	s7 =	simm.s32 @!p0 $0x0  }
0xe: {  	s5 =	simm.s32 $0x1;
	s30 =	smul.u32 $0xB800, s6;
	s7 =	ssub.s32 s8, s7  }
0xf: {  	_ =	strace $0x80000047;
	s8 =	sand.u32 $0x20000, s29;
	s7 =	sshll.u32 s7, $0x12  }
.Ltmp0:
0x10: {  	s14 =	sor.u32 s14, s30;
	s11 =	sor.u32 s8, s7;
	(pc) =	sbr.rel .LBB2_1-.Ltmp0, $4  }
0x11: {  	s13 =	smax.u32 s13, $0x1;
	s14 =	sshrl.u32 s14, $0x3;
	s7 =	sshrl.u32 s11, $0x3  }
0x12: {  	s12 =	sadd.s32 s12, s14;
	s14 =	simm.s32 $0x8000;
	s10 =	sor.u32 $0x800, s7  }
0x13: {  	s6 =	sadd.s32 s0, s7;
	s7 =	sadd.s32 s3, s7;
	s8 =	sadd.s32 s0, s10  }
0x14: {  	v0 =	vimm.s32 $0x0;
	v1 =	vlaneseq.u32;
	v2 =	vimm.s32 $0x1;
	s9 =	sadd.s32 s3, s10;
	s10 =	sor.u32 $0x8000, s11;
	s11 =	sor.u32 $0xC000, s11  }
.LBB2_10:
0x15: {  	s22 =	sadd.s32 $0x1, s22  }
0x16: {  	p0 =	sne.s32 s22, s13  }
.Ltmp1:
0x17: {  	_ = 	snop;
	(pc) =	sbr.rel @!p0 .LBB2_11-.Ltmp1, $4  }
0x18: {  	[hbm4b:s12+s19] =	stream.strided.scatter [tilespmem:s17], [sflag:$0x3], $0x1700, s20, s19, $0x38;
	[tilespmem:$0x11700] =	vst v63  }
0x19: {  	_ =	swait.ge [sflag:s21], $0x1700  }
0x1a: {  	[sflag:s21] =	ssyncset.done $0x0  }
0x1b: {  	[sflag:s21] =	ssyncadd.s32 $0xFFFFE900  }
.LBB2_1:
0x1c: {  	[tilespmem:s4], [sflag:$0x1] =	stream.linear.gather [hbm4b:s6+s4], $0x4000, $0x38;
	[tilespmem:$0x11700] =	vst v63  }
0x1d: {  	_ = 	snop  }
0x1e: {  	[tilespmem:s14], [sflag:$0x1] =	stream.linear.gather [hbm4b:s7+s4], $0x4000, $0x38;
	[tilespmem:$0x11700] =	vst v63  }
0x1f: {  	_ = 	snop  }
0x20: {  	[tilespmem:s15], [sflag:$0x2] =	stream.linear.gather [hbm4b:s8+s4], $0x4000, $0x38;
	[tilespmem:$0x11700] =	vst v63  }
0x21: {  	s23 =	simm.s32 $0x10040  }
0x22: {  	[tilespmem:s16], [sflag:$0x2] =	stream.linear.gather [hbm4b:s9+s4], $0x4000, $0x38;
	[tilespmem:$0x11700] =	vst v63  }
0x23: {  	[tilespmem:s23+$0xFFFFFFC0] =	vst v0  }
0x24: {  	[tilespmem:s23+$0x30] =	vst v0  }
0x25: {  	[tilespmem:s23+$0x20] =	vst v0  }
0x26: {  	[tilespmem:s23+$0x10] =	vst v0  }
0x27: {  	[tilespmem:s23+$0x0] =	vst v0  }
0x28: {  	[tilespmem:s23+$0xFFFFFFF0] =	vst v0  }
0x29: {  	s24 =	simm.s32 $0x0;
	[tilespmem:s23+$0xFFFFFFE0] =	vst v0  }
.LBB2_2:
0x2a: {  	s24 =	sadd.s32 $0x8, s24;
	[tilespmem:s23+$0xFFFFFFD0] =	vst v0;
	s23 =	sadd.s32 $0x80, s23  }
0x2b: {  	[tilespmem:s23+$0xFFFFFFC0] =	vst v0;
	p0 =	slt.u32 s24, $0x168  }
0x2c: {  	[tilespmem:s23+$0x30] =	vst v0  }
.Ltmp2:
0x2d: {  	[tilespmem:s23+$0x20] =	vst v0;
	(pc) =	sbr.rel @p0 .LBB2_2-.Ltmp2, $4  }
0x2e: {  	[tilespmem:s23+$0x10] =	vst v0  }
0x2f: {  	[tilespmem:s23+$0x0] =	vst v0  }
0x30: {  	[tilespmem:s23+$0xFFFFFFF0] =	vst v0  }
0x31: {  	[tilespmem:s23+$0xFFFFFFE0] =	vst v0  }
0x32: {  	[tilespmem:s23+$0xFFFFFFD0] =	vst v0;
	s23 =	simm.s32 $0x0;
	s24 =	simm.s32 $0x0  }
.LBB2_4:
0x33: {  	_ =	swait.ge [sflag:s5], $0x4000  }
0x34: {  	[sflag:s5] =	ssyncset.done $0x0  }
0x35: {  	s25 =	simm.s32 $0x0;
	s26 =	sand.u32 $0xC00, s23;
	[sflag:s5] =	ssyncadd.s32 $0xFFFFC000  }
0x36: {  	s28 =	simm.s32 $0x0;
	s25 =	sand.u32 $0x3000, s25;
	_ =	swait.ge [sflag:s5], $0x4000  }
0x37: {  	s28 =	sand.u32 $0x380, s28;
	s25 =	sor.u32 s26, s25;
	[sflag:s5] =	ssyncset.done $0x0  }
0x38: {  	s25 =	sor.u32 s28, s25;
	[sflag:s5] =	ssyncadd.s32 $0xFFFFC000  }
0x39: {  	v3 =	vld [tilespmem:s25+$0x8070]  }
0x3a: {  	v4 =	vld [tilespmem:s25+$0x8000]  }
0x3b: {  	v5 =	vld [tilespmem:s25+$0x70]  }
0x3c: {  	v6 =	vld [tilespmem:s25+$0x8010]  }
0x3d: {  	v7 =	vld [tilespmem:s25+$0x8020]  }
0x3e: {  	v8 =	vld [tilespmem:s25+$0x0];
	v3 =	vmul.u32 $0x13, v3  }
0x3f: {  	v9 =	vld [tilespmem:s25+$0x10]  }
0x40: {  	v3 =	vadd.s32 v5, v3;
	v5 =	vld [tilespmem:s25+$0x20]  }
0x41: {  	v10 =	vld [tilespmem:s25+$0x8030];
	v4 =	vmul.u32 $0x13, v4;
	v3 =	vshll.u32 v3, $0x4  }
0x42: {  	v11 =	vld [tilespmem:s25+$0x8040];
	v6 =	vmul.u32 $0x13, v6;
	v3 =	vor.u32 v1, v3  }
0x43: {  	v12 =	vld [tilespmem:s25+$0x8050];
	v7 =	vmul.u32 $0x13, v7;
	v4 =	vadd.s32 v8, v4  }
0x44: {  	v13 =	vld [tilespmem:s25+$0x60];
	v6 =	vadd.s32 v9, v6;
	v4 =	vshll.u32 v4, $0x4  }
0x45: {  	v8 =	vld [tilespmem:s25+$0x8060];
	v6 =	vshll.u32 v6, $0x4;
	v4 =	vor.u32 v1, v4;
	v5 =	vadd.s32 v5, v7  }
0x46: {  	v9 =	vld [tilespmem:s25+$0x30];
	v6 =	vor.u32 v1, v6;
	v5 =	vshll.u32 v5, $0x4  }
0x47: {  	[tilespmem:v3+s17+$0x0] =	vst.idx.add.s32.msk $0xffff, v2;
	v3 =	vor.u32 v1, v5  }
0x48: {  	v7 =	vld [tilespmem:s25+$0x40]  }
0x49: {  	s29 =	simm.s32 $0x80;
	v5 =	vld [tilespmem:s25+$0x50];
	s25 =	simm.s32 $0x400  }
0x4a: {  	s26 =	sand.u32 $0x3000, s29;
	s29 =	simm.s32 $0x20;
	[tilespmem:v4+s17+$0x0] =	vst.idx.add.s32.msk $0xffff, v2;
	s30 =	sand.u32 $0xC00, s25  }
0x4b: {  	s31 =	sand.u32 $0x380, s29;
	[tilespmem:v6+s17+$0x0] =	vst.idx.add.s32.msk $0xffff, v2;
	s26 =	sor.u32 s30, s26  }
0x4c: {  	s26 =	sor.u32 s31, s26;
	[tilespmem:v3+s17+$0x0] =	vst.idx.add.s32.msk $0xffff, v2  }
0x4d: {  	v3 =	vld [tilespmem:s26+$0x8070]  }
0x4e: {  	v6 =	vld [tilespmem:s26+$0x8000]  }
0x4f: {  	v4 =	vld [tilespmem:s26+$0x70]  }
0x50: {  	v14 =	vld [tilespmem:s26+$0x8010]  }
0x51: {  	v15 =	vld [tilespmem:s26+$0x8020]  }
0x52: {  	v10 =	vmul.u32 $0x13, v10;
	v16 =	vld [tilespmem:s26+$0x8030];
	v3 =	vmul.u32 $0x13, v3  }
0x53: {  	v11 =	vmul.u32 $0x13, v11;
	v17 =	vld [tilespmem:s26+$0x8040]  }
0x54: {  	v12 =	vmul.u32 $0x13, v12;
	v9 =	vadd.s32 v9, v10;
	v10 =	vld [tilespmem:s26+$0x8050];
	v3 =	vadd.s32 v4, v3  }
0x55: {  	v4 =	vmul.u32 $0x13, v8;
	v8 =	vshll.u32 v9, $0x4;
	v9 =	vld [tilespmem:s26+$0x8060];
	v3 =	vshll.u32 v3, $0x4  }
0x56: {  	v7 =	vadd.s32 v7, v11;
	v18 =	vor.u32 v1, v8;
	v8 =	vld [tilespmem:s26+$0x0];
	v11 =	vor.u32 v1, v3  }
0x57: {  	v5 =	vadd.s32 v5, v12;
	v3 =	vshll.u32 v7, $0x4;
	v4 =	vadd.s32 v13, v4;
	v7 =	vld [tilespmem:s26+$0x10]  }
0x58: {  	v12 =	vld [tilespmem:s26+$0x20];
	v19 =	vor.u32 v1, v3;
	v3 =	vshll.u32 v5, $0x4;
	v5 =	vshll.u32 v4, $0x4  }
0x59: {  	v13 =	vld [tilespmem:s26+$0x30];
	v4 =	vor.u32 v1, v3;
	v3 =	vor.u32 v1, v5;
	v5 =	vmul.u32 $0x13, v6  }
0x5a: {  	v20 =	vld [tilespmem:s26+$0x40];
	v14 =	vmul.u32 $0x13, v14;
	v15 =	vmul.u32 $0x13, v15;
	v16 =	vmul.u32 $0x13, v16  }
0x5b: {  	v17 =	vmul.u32 $0x13, v17;
	v6 =	vmul.u32 $0x13, v10;
	v8 =	vadd.s32 v8, v5;
	[tilespmem:v11+s17+$0x0] =	vst.idx.add.s32.msk $0xffff, v2  }
0x5c: {  	v5 =	vmul.u32 $0x13, v9;
	v8 =	vshll.u32 v8, $0x4;
	v9 =	vadd.s32 v7, v14;
	v11 =	vld [tilespmem:s26+$0x50]  }
0x5d: {  	v10 =	vld [tilespmem:s26+$0x60];
	v7 =	vor.u32 v1, v8;
	v8 =	vshll.u32 v9, $0x4;
	v9 =	vadd.s32 v12, v15  }
0x5e: {  	[tilespmem:v18+s17+$0x0] =	vst.idx.add.s32.msk $0xffff, v2;
	v12 =	vadd.s32 v13, v16;
	v8 =	vor.u32 v1, v8;
	v9 =	vshll.u32 v9, $0x4  }
0x5f: {  	s26 =	simm.s32 $0x8;
	v13 =	vadd.s32 v20, v17;
	[tilespmem:v19+s17+$0x0] =	vst.idx.add.s32.msk $0xffff, v2;
	v12 =	vshll.u32 v12, $0x4;
	v9 =	vor.u32 v1, v9  }
.LBB2_5:
0x60: {  	s26 =	sadd.s32 $0x8, s26;
	v12 =	vor.u32 v1, v12;
	v13 =	vshll.u32 v13, $0x4;
	[tilespmem:v4+s17+$0x0] =	vst.idx.add.s32.msk $0xffff, v2  }
0x61: {  	s25 =	sadd.s32 $0x400, s25;
	s28 =	sshll.u32 s26, $0x4;
	p0 =	slt.u32 s26, $0x3F8;
	v14 =	vor.u32 v1, v13;
	v4 =	vadd.s32 v11, v6;
	[tilespmem:v3+s17+$0x0] =	vst.idx.add.s32.msk $0xffff, v2  }
0x62: {  	s29 =	sand.u32 $0xC00, s25;
	s30 =	sshll.u32 s26, $0x2;
	s28 =	sand.u32 $0x3000, s28;
	[tilespmem:v7+s17+$0x0] =	vst.idx.add.s32.msk $0xffff, v2;
	v3 =	vshll.u32 v4, $0x4;
	v5 =	vadd.s32 v10, v5  }
0x63: {  	s28 =	sor.u32 s29, s28;
	s29 =	sand.u32 $0x380, s30;
	[tilespmem:v8+s17+$0x0] =	vst.idx.add.s32.msk $0xffff, v2;
	v4 =	vor.u32 v1, v3;
	v3 =	vshll.u32 v5, $0x4  }
0x64: {  	s28 =	sor.u32 s29, s28;
	[tilespmem:v9+s17+$0x0] =	vst.idx.add.s32.msk $0xffff, v2;
	v3 =	vor.u32 v1, v3  }
0x65: {  	v5 =	vld [tilespmem:s28+$0x8070]  }
0x66: {  	v6 =	vld [tilespmem:s28+$0x8000]  }
0x67: {  	v7 =	vld [tilespmem:s28+$0x70]  }
0x68: {  	v8 =	vld [tilespmem:s28+$0x8010]  }
0x69: {  	v9 =	vld [tilespmem:s28+$0x8020]  }
0x6a: {  	v10 =	vld [tilespmem:s28+$0x8030];
	v5 =	vmul.u32 $0x13, v5  }
0x6b: {  	v11 =	vmul.u32 $0x13, v6;
	v6 =	vld [tilespmem:s28+$0x8040]  }
0x6c: {  	v13 =	vld [tilespmem:s28+$0x8050];
	v5 =	vadd.s32 v7, v5  }
0x6d: {  	v7 =	vmul.u32 $0x13, v8;
	v8 =	vld [tilespmem:s28+$0x8060];
	v5 =	vshll.u32 v5, $0x4  }
0x6e: {  	v15 =	vld [tilespmem:s28+$0x0];
	v9 =	vmul.u32 $0x13, v9;
	v16 =	vor.u32 v1, v5  }
0x6f: {  	v17 =	vld [tilespmem:s28+$0x10];
	v18 =	vmul.u32 $0x13, v10  }
0x70: {  	v10 =	vld [tilespmem:s28+$0x20];
	v19 =	vmul.u32 $0x13, v6  }
0x71: {  	v20 =	vld [tilespmem:s28+$0x30];
	v6 =	vmul.u32 $0x13, v13  }
0x72: {  	v13 =	vld [tilespmem:s28+$0x40];
	v5 =	vmul.u32 $0x13, v8  }
.Ltmp3:
0x73: {  	v8 =	vadd.s32 v15, v11;
	[tilespmem:v16+s17+$0x0] =	vst.idx.add.s32.msk $0xffff, v2;
	(pc) =	sbr.rel @p0 .LBB2_5-.Ltmp3, $4  }
0x74: {  	v8 =	vshll.u32 v8, $0x4;
	v15 =	vadd.s32 v17, v7;
	v11 =	vld [tilespmem:s28+$0x50]  }
0x75: {  	v7 =	vor.u32 v1, v8;
	v8 =	vshll.u32 v15, $0x4;
	v9 =	vadd.s32 v10, v9;
	v10 =	vld [tilespmem:s28+$0x60]  }
0x76: {  	v8 =	vor.u32 v1, v8;
	v9 =	vshll.u32 v9, $0x4;
	v15 =	vadd.s32 v20, v18;
	[tilespmem:v12+s17+$0x0] =	vst.idx.add.s32.msk $0xffff, v2  }
0x77: {  	v9 =	vor.u32 v1, v9;
	v12 =	vshll.u32 v15, $0x4;
	v13 =	vadd.s32 v13, v19;
	[tilespmem:v14+s17+$0x0] =	vst.idx.add.s32.msk $0xffff, v2  }
0x78: {  	_ =	sdelay $0x3  }
0x79: {  	v12 =	vor.u32 v1, v12;
	v13 =	vshll.u32 v13, $0x4;
	[tilespmem:v4+s17+$0x0] =	vst.idx.add.s32.msk $0xffff, v2;
	v4 =	vadd.s32 v11, v6  }
0x7a: {  	[tilespmem:v3+s17+$0x0] =	vst.idx.add.s32.msk $0xffff, v2;
	v6 =	vor.u32 v1, v13;
	v3 =	vshll.u32 v4, $0x4;
	v4 =	vadd.s32 v10, v5  }
0x7b: {  	[tilespmem:v7+s17+$0x0] =	vst.idx.add.s32.msk $0xffff, v2;
	v3 =	vor.u32 v1, v3;
	v4 =	vshll.u32 v4, $0x4  }
0x7c: {  	[tilespmem:v8+s17+$0x0] =	vst.idx.add.s32.msk $0xffff, v2;
	v4 =	vor.u32 v1, v4  }
0x7d: {  	[tilespmem:v9+s17+$0x0] =	vst.idx.add.s32.msk $0xffff, v2  }
0x7e: {  	s25 =	sshll.u32 s24, $0xF;
	p0 =	seq.s32 s24, $0x3;
	[tilespmem:v12+s17+$0x0] =	vst.idx.add.s32.msk $0xffff, v2  }
0x7f: {  	s26 =	sadd.s32 @!p0 s25, s10;
	[tilespmem:v6+s17+$0x0] =	vst.idx.add.s32.msk $0xffff, v2  }
0x80: {  	s26 =	sshrl.u32 @!p0 s26, $0x3;
	[tilespmem:v3+s17+$0x0] =	vst.idx.add.s32.msk $0xffff, v2  }
0x81: {  	s29 =	simm.s32 @!p0 $0x0;
	s28 =	sadd.s32 @!p0 s0, s26;
	[tilespmem:v4+s17+$0x0] =	vst.idx.add.s32.msk $0xffff, v2  }
0x82: {  	[tilespmem:s29], [sflag:$0x1] =	stream.linear.gather @!p0 [hbm4b:s28+s29], $0x4000, $0x38;
	[tilespmem:$0x11700] =	vst v63  }
0x83: {  	s26 =	sadd.s32 @!p0 s3, s26;
	s28 =	simm.s32 @!p0 $0x8000  }
0x84: {  	[tilespmem:s28], [sflag:$0x1] =	stream.linear.gather @!p0 [hbm4b:s26+s29], $0x4000, $0x38;
	[tilespmem:$0x11700] =	vst v63  }
0x85: {  	_ =	swait.ge [sflag:s18], $0x4000  }
0x86: {  	s30 =	simm.s32 $0x0;
	[sflag:s18] =	ssyncset.done $0x0  }
0x87: {  	s29 =	simm.s32 $0x0;
	s28 =	simm.s32 $0x0;
	[sflag:s18] =	ssyncadd.s32 $0xFFFFC000  }
0x88: {  	s28 =	sand.u32 $0x3000, s28;
	s26 =	sand.u32 $0xC00, s29;
	_ =	swait.ge [sflag:s18], $0x4000  }
0x89: {  	s26 =	sor.u32 s26, s28;
	s28 =	sand.u32 $0x380, s30;
	[sflag:s18] =	ssyncset.done $0x0  }
0x8a: {  	s26 =	sor.u32 s28, s26;
	[sflag:s18] =	ssyncadd.s32 $0xFFFFC000  }
0x8b: {  	v3 =	vld [tilespmem:s26+$0xC070]  }
0x8c: {  	v4 =	vld [tilespmem:s26+$0xC000]  }
0x8d: {  	v5 =	vld [tilespmem:s26+$0x4070]  }
0x8e: {  	v6 =	vld [tilespmem:s26+$0xC010]  }
0x8f: {  	v7 =	vld [tilespmem:s26+$0xC020]  }
0x90: {  	v8 =	vld [tilespmem:s26+$0x4000];
	v3 =	vmul.u32 $0x13, v3  }
0x91: {  	v9 =	vld [tilespmem:s26+$0x4010]  }
0x92: {  	v3 =	vadd.s32 v5, v3;
	v5 =	vld [tilespmem:s26+$0x4020]  }
0x93: {  	v10 =	vld [tilespmem:s26+$0xC030];
	v4 =	vmul.u32 $0x13, v4;
	v3 =	vshll.u32 v3, $0x4  }
0x94: {  	v11 =	vld [tilespmem:s26+$0xC040];
	v6 =	vmul.u32 $0x13, v6;
	v3 =	vor.u32 v1, v3  }
0x95: {  	v12 =	vld [tilespmem:s26+$0xC050];
	v7 =	vmul.u32 $0x13, v7;
	v4 =	vadd.s32 v8, v4  }
0x96: {  	v13 =	vld [tilespmem:s26+$0x4060];
	v6 =	vadd.s32 v9, v6;
	v4 =	vshll.u32 v4, $0x4  }
0x97: {  	v8 =	vld [tilespmem:s26+$0xC060];
	v6 =	vshll.u32 v6, $0x4;
	v4 =	vor.u32 v1, v4;
	v5 =	vadd.s32 v5, v7  }
0x98: {  	v9 =	vld [tilespmem:s26+$0x4030];
	v6 =	vor.u32 v1, v6;
	v5 =	vshll.u32 v5, $0x4  }
0x99: {  	[tilespmem:v3+s17+$0x0] =	vst.idx.add.s32.msk $0xffff, v2;
	v3 =	vor.u32 v1, v5  }
0x9a: {  	v7 =	vld [tilespmem:s26+$0x4040]  }
0x9b: {  	s28 =	simm.s32 $0x80;
	v5 =	vld [tilespmem:s26+$0x4050];
	s26 =	simm.s32 $0x400  }
0x9c: {  	s30 =	simm.s32 $0x20;
	s28 =	sand.u32 $0x3000, s28;
	[tilespmem:v4+s17+$0x0] =	vst.idx.add.s32.msk $0xffff, v2;
	s31 =	sand.u32 $0xC00, s26  }
0x9d: {  	[tilespmem:v6+s17+$0x0] =	vst.idx.add.s32.msk $0xffff, v2;
	s28 =	sor.u32 s31, s28;
	s31 =	sand.u32 $0x380, s30  }
0x9e: {  	s28 =	sor.u32 s31, s28;
	[tilespmem:v3+s17+$0x0] =	vst.idx.add.s32.msk $0xffff, v2  }
0x9f: {  	v3 =	vld [tilespmem:s28+$0xC070]  }
0xa0: {  	v6 =	vld [tilespmem:s28+$0xC000]  }
0xa1: {  	v4 =	vld [tilespmem:s28+$0x4070]  }
0xa2: {  	v14 =	vld [tilespmem:s28+$0xC010]  }
0xa3: {  	v15 =	vld [tilespmem:s28+$0xC020]  }
0xa4: {  	v10 =	vmul.u32 $0x13, v10;
	v16 =	vld [tilespmem:s28+$0xC030];
	v3 =	vmul.u32 $0x13, v3  }
0xa5: {  	v11 =	vmul.u32 $0x13, v11;
	v17 =	vld [tilespmem:s28+$0xC040]  }
0xa6: {  	v12 =	vmul.u32 $0x13, v12;
	v9 =	vadd.s32 v9, v10;
	v10 =	vld [tilespmem:s28+$0xC050];
	v3 =	vadd.s32 v4, v3  }
0xa7: {  	v4 =	vmul.u32 $0x13, v8;
	v8 =	vshll.u32 v9, $0x4;
	v9 =	vld [tilespmem:s28+$0xC060];
	v3 =	vshll.u32 v3, $0x4  }
0xa8: {  	v7 =	vadd.s32 v7, v11;
	v18 =	vor.u32 v1, v8;
	v8 =	vld [tilespmem:s28+$0x4000];
	v11 =	vor.u32 v1, v3  }
0xa9: {  	v5 =	vadd.s32 v5, v12;
	v3 =	vshll.u32 v7, $0x4;
	v4 =	vadd.s32 v13, v4;
	v7 =	vld [tilespmem:s28+$0x4010]  }
0xaa: {  	v12 =	vld [tilespmem:s28+$0x4020];
	v19 =	vor.u32 v1, v3;
	v3 =	vshll.u32 v5, $0x4;
	v5 =	vshll.u32 v4, $0x4  }
0xab: {  	v13 =	vld [tilespmem:s28+$0x4030];
	v4 =	vor.u32 v1, v3;
	v3 =	vor.u32 v1, v5;
	v5 =	vmul.u32 $0x13, v6  }
0xac: {  	v20 =	vld [tilespmem:s28+$0x4040];
	v14 =	vmul.u32 $0x13, v14;
	v15 =	vmul.u32 $0x13, v15;
	v16 =	vmul.u32 $0x13, v16  }
0xad: {  	v17 =	vmul.u32 $0x13, v17;
	v6 =	vmul.u32 $0x13, v10;
	v8 =	vadd.s32 v8, v5;
	[tilespmem:v11+s17+$0x0] =	vst.idx.add.s32.msk $0xffff, v2  }
0xae: {  	v5 =	vmul.u32 $0x13, v9;
	v8 =	vshll.u32 v8, $0x4;
	v9 =	vadd.s32 v7, v14;
	v11 =	vld [tilespmem:s28+$0x4050]  }
0xaf: {  	v10 =	vld [tilespmem:s28+$0x4060];
	v7 =	vor.u32 v1, v8;
	v8 =	vshll.u32 v9, $0x4;
	v9 =	vadd.s32 v12, v15  }
0xb0: {  	[tilespmem:v18+s17+$0x0] =	vst.idx.add.s32.msk $0xffff, v2;
	v12 =	vadd.s32 v13, v16;
	v8 =	vor.u32 v1, v8;
	v9 =	vshll.u32 v9, $0x4  }
0xb1: {  	s28 =	simm.s32 $0x8;
	v13 =	vadd.s32 v20, v17;
	[tilespmem:v19+s17+$0x0] =	vst.idx.add.s32.msk $0xffff, v2;
	v12 =	vshll.u32 v12, $0x4;
	v9 =	vor.u32 v1, v9  }
.LBB2_7:
0xb2: {  	s28 =	sadd.s32 $0x8, s28;
	v12 =	vor.u32 v1, v12;
	v13 =	vshll.u32 v13, $0x4;
	[tilespmem:v4+s17+$0x0] =	vst.idx.add.s32.msk $0xffff, v2  }
0xb3: {  	s26 =	sadd.s32 $0x400, s26;
	s29 =	sshll.u32 s28, $0x4;
	p1 =	slt.u32 s28, $0x3F8;
	v14 =	vor.u32 v1, v13;
	v4 =	vadd.s32 v11, v6;
	[tilespmem:v3+s17+$0x0] =	vst.idx.add.s32.msk $0xffff, v2  }
0xb4: {  	s30 =	sand.u32 $0xC00, s26;
	s31 =	sshll.u32 s28, $0x2;
	s29 =	sand.u32 $0x3000, s29;
	[tilespmem:v7+s17+$0x0] =	vst.idx.add.s32.msk $0xffff, v2;
	v3 =	vshll.u32 v4, $0x4;
	v5 =	vadd.s32 v10, v5  }
0xb5: {  	s29 =	sor.u32 s30, s29;
	s30 =	sand.u32 $0x380, s31;
	[tilespmem:v8+s17+$0x0] =	vst.idx.add.s32.msk $0xffff, v2;
	v4 =	vor.u32 v1, v3;
	v3 =	vshll.u32 v5, $0x4  }
0xb6: {  	s29 =	sor.u32 s30, s29;
	[tilespmem:v9+s17+$0x0] =	vst.idx.add.s32.msk $0xffff, v2;
	v3 =	vor.u32 v1, v3  }
0xb7: {  	v5 =	vld [tilespmem:s29+$0xC070]  }
0xb8: {  	v6 =	vld [tilespmem:s29+$0xC000]  }
0xb9: {  	v7 =	vld [tilespmem:s29+$0x4070]  }
0xba: {  	v8 =	vld [tilespmem:s29+$0xC010]  }
0xbb: {  	v9 =	vld [tilespmem:s29+$0xC020]  }
0xbc: {  	v10 =	vld [tilespmem:s29+$0xC030];
	v5 =	vmul.u32 $0x13, v5  }
0xbd: {  	v11 =	vmul.u32 $0x13, v6;
	v6 =	vld [tilespmem:s29+$0xC040]  }
0xbe: {  	v13 =	vld [tilespmem:s29+$0xC050];
	v5 =	vadd.s32 v7, v5  }
0xbf: {  	v7 =	vmul.u32 $0x13, v8;
	v8 =	vld [tilespmem:s29+$0xC060];
	v5 =	vshll.u32 v5, $0x4  }
0xc0: {  	v15 =	vld [tilespmem:s29+$0x4000];
	v9 =	vmul.u32 $0x13, v9;
	v16 =	vor.u32 v1, v5  }
0xc1: {  	v17 =	vld [tilespmem:s29+$0x4010];
	v18 =	vmul.u32 $0x13, v10  }
0xc2: {  	v10 =	vld [tilespmem:s29+$0x4020];
	v19 =	vmul.u32 $0x13, v6  }
0xc3: {  	v20 =	vld [tilespmem:s29+$0x4030];
	v6 =	vmul.u32 $0x13, v13  }
0xc4: {  	v13 =	vld [tilespmem:s29+$0x4040];
	v5 =	vmul.u32 $0x13, v8  }
.Ltmp4:
0xc5: {  	v8 =	vadd.s32 v15, v11;
	[tilespmem:v16+s17+$0x0] =	vst.idx.add.s32.msk $0xffff, v2;
	(pc) =	sbr.rel @p1 .LBB2_7-.Ltmp4, $4  }
0xc6: {  	v8 =	vshll.u32 v8, $0x4;
	v15 =	vadd.s32 v17, v7;
	v11 =	vld [tilespmem:s29+$0x4050]  }
0xc7: {  	v7 =	vor.u32 v1, v8;
	v8 =	vshll.u32 v15, $0x4;
	v9 =	vadd.s32 v10, v9;
	v10 =	vld [tilespmem:s29+$0x4060]  }
0xc8: {  	v8 =	vor.u32 v1, v8;
	v9 =	vshll.u32 v9, $0x4;
	v15 =	vadd.s32 v20, v18;
	[tilespmem:v12+s17+$0x0] =	vst.idx.add.s32.msk $0xffff, v2  }
0xc9: {  	v9 =	vor.u32 v1, v9;
	v12 =	vshll.u32 v15, $0x4;
	v13 =	vadd.s32 v13, v19;
	[tilespmem:v14+s17+$0x0] =	vst.idx.add.s32.msk $0xffff, v2  }
0xca: {  	_ =	sdelay $0x3  }
0xcb: {  	v12 =	vor.u32 v1, v12;
	v13 =	vshll.u32 v13, $0x4;
	[tilespmem:v4+s17+$0x0] =	vst.idx.add.s32.msk $0xffff, v2;
	v61 =	vadd.s32 v11, v6  }
0xcc: {  	[tilespmem:v3+s17+$0x0] =	vst.idx.add.s32.msk $0xffff, v2;
	v62 =	vor.u32 v1, v13;
	v3 =	vshll.u32 v61, $0x4;
	v63 =	vadd.s32 v10, v5  }
0xcd: {  	[tilespmem:v7+s17+$0x0] =	vst.idx.add.s32.msk $0xffff, v2;
	v3 =	vor.u32 v1, v3;
	v4 =	vshll.u32 v63, $0x4  }
0xce: {  	[tilespmem:v8+s17+$0x0] =	vst.idx.add.s32.msk $0xffff, v2;
	v4 =	vor.u32 v1, v4  }
.Ltmp5:
0xcf: {  	[tilespmem:v9+s17+$0x0] =	vst.idx.add.s32.msk $0xffff, v2;
	(pc) =	sbr.rel @p0 .LBB2_10-.Ltmp5, $4  }
0xd0: {  	[tilespmem:v12+s17+$0x0] =	vst.idx.add.s32.msk $0xffff, v2  }
0xd1: {  	[tilespmem:v62+s17+$0x0] =	vst.idx.add.s32.msk $0xffff, v2  }
0xd2: {  	[tilespmem:v3+s17+$0x0] =	vst.idx.add.s32.msk $0xffff, v2  }
0xd3: {  	[tilespmem:v4+s17+$0x0] =	vst.idx.add.s32.msk $0xffff, v2  }
0xd4: {  	s25 =	sadd.s32 s25, s11  }
.Ltmp6:
0xd5: {  	s25 =	sshrl.u32 s25, $0x3;
	(pc) =	sbr.rel .LBB2_4-.Ltmp6, $4  }
0xd6: {  	s26 =	sadd.s32 s0, s25  }
0xd7: {  	[tilespmem:s15], [sflag:$0x2] =	stream.linear.gather [hbm4b:s26+s4], $0x4000, $0x38;
	[tilespmem:$0x11700] =	vst v63  }
0xd8: {  	s24 =	sadd.s32 $0x1, s24;
	s25 =	sadd.s32 s3, s25  }
0xd9: {  	[tilespmem:s16], [sflag:$0x2] =	stream.linear.gather [hbm4b:s25+s4], $0x4000, $0x38;
	[tilespmem:$0x11700] =	vst v63  }
.LBB2_11:
0xda: {  	_ =	sfence.sel $0x180000  }
0xdb: {  	[bflag:$0x0] =	sbarrier.arrive $0xFFFF  }
0xdc: {  	p0 =	sne.s32 s2, $0x0;
	_ =	strace $0x90000047  }
0xdd: {  	s0 =	sadd.s32 @!p0 $0x100000, s1;
	[bflag:$0x2] =	sbarrier.arrive $0xFFFF  }
0xde: {  	[sflag:s0] =	ssyncadd.tile.s32 @!p0 $0x1;
	_ =	shalt  }
.Lfunc_end2:
_tile_overlayer_lowered:
.L_overlay_start_2:
0xdf: {  	(tag) =	ssettag $0x2  }
0xe0: {  	s0 =	rddreg [dreg:$0x0];
	s2 =	stileid.u32  }
0xe1: {  	s1 =	rddreg [dreg:$0x1];
	p0 =	sne.s32 s2, $0x0  }
0xe2: {  	s3 =	rddreg [dreg:$0x2];
	[bflag:$0x3] =	sbarrier.arrive $0xFFFF;
	s2 =	simm.s32 @!p0 $0x1C03  }
0xe3: {  	[timem:s3], [sflag:s2] =	dma.local @!p0 [hbm:s0], s1  }
0xe4: {  	s0 =	simm.s32 @!p0 $0x3  }
0xe5: {  	_ =	swait.ge @!p0 [sflag:s0], s1  }
0xe6: {  	s1 =	ssub.s32 @!p0 $0x0, s1;
	[sflag:s0] =	ssyncset.done @!p0 $0x0  }
0xe7: {  	[sflag:s0] =	ssyncadd.s32 @!p0 s1  }
0xe8: {  	[bflag:$0x3] =	sbarrier.arrive $0xFFFF  }
0xe9: {  	_ =	shalt  }

</sc_bundles>
